<compile_context>
chip_gen: v7x
topology: tpu7x:2x2x1
jax: 0.10.2.dev20260603
libtpu: 0.0.44.dev20260713+nightly
codegen_flags: <defaults>
</compile_context>

<pallas_src>
import functools

import jax
import jax.numpy as jnp
from jax import lax
from jax.experimental import pallas as pl
from jax.experimental.pallas import tpu as pltpu
from jax.experimental.pallas import tpu_sc as plsc

_OBS = (100, 100, 100)
_NUM_ACTIONS = 16
_BATCH = 16384

_NC = 2
_NS = 16
_NW = _NC * _NS
_BPW = _BATCH // _NW
_LANES = 16
_GCHUNK = 128
_NGATHER = _BPW // _GCHUNK


@functools.partial(
    pl.kernel,
    out_type=jax.ShapeDtypeStruct((_BATCH, _NUM_ACTIONS), jnp.float32),
    mesh=plsc.VectorSubcoreMesh(core_axis_name="c", subcore_axis_name="s"),
    scratch_types=[
        pltpu.VMEM((_BPW,), jnp.int32),
        pltpu.VMEM((_BPW,), jnp.int32),
        pltpu.VMEM((_BPW,), jnp.int32),
        pltpu.VMEM((_BPW,), jnp.int32),
        pltpu.VMEM((_BPW, _NUM_ACTIONS), jnp.float32),
        pltpu.SemaphoreType.DMA,
    ],
    compiler_params=pltpu.CompilerParams(use_tc_tiling_on_sc=False),
)
def _sc_gather(x0_hbm, x1_hbm, x2_hbm, params_hbm, out_hbm,
               x0_v, x1_v, x2_v, idx_v, rows_v, sem):
    wid = lax.axis_index("s") * _NC + lax.axis_index("c")
    base = wid * _BPW

    pltpu.sync_copy(x0_hbm.at[pl.ds(base, _BPW)], x0_v)
    pltpu.sync_copy(x1_hbm.at[pl.ds(base, _BPW)], x1_v)
    pltpu.sync_copy(x2_hbm.at[pl.ds(base, _BPW)], x2_v)

    hi = jnp.full((_LANES,), _OBS[0] - 1, jnp.int32)
    lo = jnp.zeros((_LANES,), jnp.int32)
    for i in range(_BPW // _LANES):
        sl = pl.ds(i * _LANES, _LANES)
        a = jnp.minimum(jnp.maximum(x0_v[sl], lo), hi)
        b = jnp.minimum(jnp.maximum(x1_v[sl], lo), hi)
        c = jnp.minimum(jnp.maximum(x2_v[sl], lo), hi)
        idx_v[sl] = (a * (_OBS[1] * _OBS[2]) + b * _OBS[2]) + c

    copies = []
    for j in range(_NGATHER):
        sl = pl.ds(j * _GCHUNK, _GCHUNK)
        copies.append(
            pltpu.async_copy(params_hbm.at[idx_v.at[sl]], rows_v.at[sl], sem))
    for cp in copies:
        cp.wait()

    pltpu.sync_copy(rows_v, out_hbm.at[pl.ds(base, _BPW)])


def kernel(x, params):
    return _sc_gather(x[0], x[1], x[2], params)

# --- scband reference (transcript-rebuilt; emitter-appended) ---
"""Pipeline reference for scband-direct-parameterization-37787122270942 (READ-ONLY COPY).

The authoritative reference and input builder live on the scoring server;
editing this copy changes nothing except your own understanding.
"""

import jax, jax.numpy as jnp
import numpy as np
import math

OBS_DIMS = (1, 100, 100, 100)
NUM_ACTIONS = 16
BATCH = 16384


def setup_inputs(seed: int = 0) -> dict:
    key = jax.random.key(seed)
    # x: one row of indices per dimension of OBS_DIMS[1:] (ravel_multi_index iterates
    # over the leading axis), values in [0, 100) so they are in-range for each dim.
    x = jax.random.randint(jax.random.fold_in(key, 0), (len(OBS_DIMS) - 1, BATCH), 0, 100, dtype=jnp.int32)
    # Learned parameter table, initialized exactly as in the flax module:
    # jnp.full((prod(obs_dims), num_actions), 1/num_actions)
    params = jnp.full((math.prod(OBS_DIMS), NUM_ACTIONS), 1.0 / NUM_ACTIONS, dtype=jnp.float32)
    return {"x": x, "params": params}


def reference(x, params):
    # Faithful translation of DirectParameterization.__call__
    idx = jnp.ravel_multi_index(tuple(x), OBS_DIMS[1:], mode='clip')
    return params[idx]

if __name__ == "__main__":
    import jax
    _d = setup_inputs()
    print(jax.jit(kernel)(*tuple(_d.values())))

</pallas_src>

<mosaic_0001>
#map = affine_map<(d0, d1) -> (0)>
#map1 = affine_map<(d0, d1) -> (0, 0)>
module attributes {stable_mosaic.version = 14 : i64} {
  func.func @_sc_gather(%arg0: i32, %arg1: i32, %arg2: memref<16384xi32, #tpu.memory_space<hbm>>, %arg3: memref<16384xi32, #tpu.memory_space<hbm>>, %arg4: memref<16384xi32, #tpu.memory_space<hbm>>, %arg5: memref<1000000x16xf32, #tpu.memory_space<hbm>>, %arg6: memref<16384x16xf32, #tpu.memory_space<hbm>>, %arg7: memref<512xi32, #tpu.memory_space<vmem>>, %arg8: memref<512xi32, #tpu.memory_space<vmem>>, %arg9: memref<512xi32, #tpu.memory_space<vmem>>, %arg10: memref<512xi32, #tpu.memory_space<vmem>>, %arg11: memref<512x16xf32, #tpu.memory_space<vmem>>, %arg12: memref<!tpu.dma_semaphore, #tpu.memory_space<semaphore_mem>>) attributes {dimension_semantics = [#tpu.dimension_semantics<core_parallel>, #tpu.dimension_semantics<subcore_parallel>], iteration_bounds = array<i64: 2, 16>, scalar_prefetch = 0 : i64, scratch_operands = 6 : i64, tpu.core_type = #tpu.core_type<sc_vector_subcore>, window_params = [{transform_indices = #map}, {transform_indices = #map}, {transform_indices = #map}, {transform_indices = #map1}, {transform_indices = #map1}]} {
    %mul3A = arith.constant 2 : i32
    %mul3A_0 = arith.muli %arg1, %mul3A : i32
    %add3A = arith.addi %mul3A_0, %arg0 : i32
    %mul3A_1 = arith.constant 512 : i32
    %mul3A_2 = arith.muli %add3A, %mul3A_1 : i32
    "tpu.region"() ({
      %run_scoped3A = tpu.sem_alloc : memref<!tpu.dma_semaphore, #tpu.memory_space<semaphore_mem>>
      %dma_start3A_928 = tpu.memref_slice %arg2[%mul3A_2] : memref<16384xi32, #tpu.memory_space<hbm>> -> memref<512xi32, #tpu.memory_space<hbm>>
      %dma_start3A_929 = tpu.memref_slice %arg2[%mul3A_2] : memref<16384xi32, #tpu.memory_space<hbm>> -> memref<512xi32, #tpu.memory_space<hbm>>
      tpu.enqueue_dma source(%dma_start3A_929 : memref<512xi32, #tpu.memory_space<hbm>>) target(%arg7 : memref<512xi32, #tpu.memory_space<vmem>>) target_semaphore(%run_scoped3A : memref<!tpu.dma_semaphore, #tpu.memory_space<semaphore_mem>>)
      %dma_wait3A_930 = tpu.memref_slice %arg2[%mul3A_2] : memref<16384xi32, #tpu.memory_space<hbm>> -> memref<512xi32, #tpu.memory_space<hbm>>
      %dma_wait3A_931 = tpu.memref_slice %arg2[%mul3A_2] : memref<16384xi32, #tpu.memory_space<hbm>> -> memref<512xi32, #tpu.memory_space<hbm>>
      tpu.wait_dma2 semaphore(%run_scoped3A : memref<!tpu.dma_semaphore, #tpu.memory_space<semaphore_mem>>) src(%dma_wait3A_931 : memref<512xi32, #tpu.memory_space<hbm>>) dst(%arg7 : memref<512xi32, #tpu.memory_space<vmem>>)
      tpu.yield
    }) : () -> ()
    "tpu.region"() ({
      %run_scoped3A = tpu.sem_alloc : memref<!tpu.dma_semaphore, #tpu.memory_space<semaphore_mem>>
      %dma_start3A_928 = tpu.memref_slice %arg3[%mul3A_2] : memref<16384xi32, #tpu.memory_space<hbm>> -> memref<512xi32, #tpu.memory_space<hbm>>
      %dma_start3A_929 = tpu.memref_slice %arg3[%mul3A_2] : memref<16384xi32, #tpu.memory_space<hbm>> -> memref<512xi32, #tpu.memory_space<hbm>>
      tpu.enqueue_dma source(%dma_start3A_929 : memref<512xi32, #tpu.memory_space<hbm>>) target(%arg8 : memref<512xi32, #tpu.memory_space<vmem>>) target_semaphore(%run_scoped3A : memref<!tpu.dma_semaphore, #tpu.memory_space<semaphore_mem>>)
      %dma_wait3A_930 = tpu.memref_slice %arg3[%mul3A_2] : memref<16384xi32, #tpu.memory_space<hbm>> -> memref<512xi32, #tpu.memory_space<hbm>>
      %dma_wait3A_931 = tpu.memref_slice %arg3[%mul3A_2] : memref<16384xi32, #tpu.memory_space<hbm>> -> memref<512xi32, #tpu.memory_space<hbm>>
      tpu.wait_dma2 semaphore(%run_scoped3A : memref<!tpu.dma_semaphore, #tpu.memory_space<semaphore_mem>>) src(%dma_wait3A_931 : memref<512xi32, #tpu.memory_space<hbm>>) dst(%arg8 : memref<512xi32, #tpu.memory_space<vmem>>)
      tpu.yield
    }) : () -> ()
    "tpu.region"() ({
      %run_scoped3A = tpu.sem_alloc : memref<!tpu.dma_semaphore, #tpu.memory_space<semaphore_mem>>
      %dma_start3A_928 = tpu.memref_slice %arg4[%mul3A_2] : memref<16384xi32, #tpu.memory_space<hbm>> -> memref<512xi32, #tpu.memory_space<hbm>>
      %dma_start3A_929 = tpu.memref_slice %arg4[%mul3A_2] : memref<16384xi32, #tpu.memory_space<hbm>> -> memref<512xi32, #tpu.memory_space<hbm>>
      tpu.enqueue_dma source(%dma_start3A_929 : memref<512xi32, #tpu.memory_space<hbm>>) target(%arg9 : memref<512xi32, #tpu.memory_space<vmem>>) target_semaphore(%run_scoped3A : memref<!tpu.dma_semaphore, #tpu.memory_space<semaphore_mem>>)
      %dma_wait3A_930 = tpu.memref_slice %arg4[%mul3A_2] : memref<16384xi32, #tpu.memory_space<hbm>> -> memref<512xi32, #tpu.memory_space<hbm>>
      %dma_wait3A_931 = tpu.memref_slice %arg4[%mul3A_2] : memref<16384xi32, #tpu.memory_space<hbm>> -> memref<512xi32, #tpu.memory_space<hbm>>
      tpu.wait_dma2 semaphore(%run_scoped3A : memref<!tpu.dma_semaphore, #tpu.memory_space<semaphore_mem>>) src(%dma_wait3A_931 : memref<512xi32, #tpu.memory_space<hbm>>) dst(%arg9 : memref<512xi32, #tpu.memory_space<vmem>>)
      tpu.yield
    }) : () -> ()
    %broadcast_in_dim3A = arith.constant 99 : i32
    %broadcast_in_dim3A_3 = vector.broadcast %broadcast_in_dim3A : i32 to vector<16xi32>
    %broadcast_in_dim3A_4 = arith.constant 0 : i32
    %broadcast_in_dim3A_5 = vector.broadcast %broadcast_in_dim3A_4 : i32 to vector<16xi32>
    %get3A = arith.constant 0 : index
    %get3A_6 = tpu.vector_load %arg7[%get3A] {strides = array<i32>} : memref<512xi32, #tpu.memory_space<vmem>>, vector<16xi32>,
    %get3A_7 = vector.shape_cast %get3A_6 : vector<16xi32> to vector<16xi32>
    %max3A = arith.maxsi %get3A_7, %broadcast_in_dim3A_5 : vector<16xi32>
    %min3A = arith.minsi %max3A, %broadcast_in_dim3A_3 : vector<16xi32>
    %get3A_8 = arith.constant 0 : index
    %get3A_9 = tpu.vector_load %arg8[%get3A_8] {strides = array<i32>} : memref<512xi32, #tpu.memory_space<vmem>>, vector<16xi32>,
    %get3A_10 = vector.shape_cast %get3A_9 : vector<16xi32> to vector<16xi32>
    %max3A_11 = arith.maxsi %get3A_10, %broadcast_in_dim3A_5 : vector<16xi32>
    %min3A_12 = arith.minsi %max3A_11, %broadcast_in_dim3A_3 : vector<16xi32>
    %get3A_13 = arith.constant 0 : index
    %get3A_14 = tpu.vector_load %arg9[%get3A_13] {strides = array<i32>} : memref<512xi32, #tpu.memory_space<vmem>>, vector<16xi32>,
    %get3A_15 = vector.shape_cast %get3A_14 : vector<16xi32> to vector<16xi32>
    %max3A_16 = arith.maxsi %get3A_15, %broadcast_in_dim3A_5 : vector<16xi32>
    %min3A_17 = arith.minsi %max3A_16, %broadcast_in_dim3A_3 : vector<16xi32>
    %mul3A_18 = arith.constant 10000 : i32
    %mul3A_19 = vector.broadcast %mul3A_18 : i32 to vector<16xi32>
    %mul3A_20 = arith.muli %min3A, %mul3A_19 : vector<16xi32>
    %mul3A_21 = arith.constant 100 : i32
    %mul3A_22 = vector.broadcast %mul3A_21 : i32 to vector<16xi32>
    %mul3A_23 = arith.muli %min3A_12, %mul3A_22 : vector<16xi32>
    %add3A_24 = arith.addi %mul3A_20, %mul3A_23 : vector<16xi32>
    %add3A_25 = arith.addi %add3A_24, %min3A_17 : vector<16xi32>
    %swap3A = arith.constant 0 : index
    %swap3A_26 = tpu.vector_load %arg10[%swap3A] {strides = array<i32>} : memref<512xi32, #tpu.memory_space<vmem>>, vector<16xi32>,
    %swap3A_27 = vector.shape_cast %swap3A_26 : vector<16xi32> to vector<16xi32>
    %swap3A_28 = vector.shape_cast %add3A_25 : vector<16xi32> to vector<16xi32>
    tpu.vector_store %arg10[%swap3A], %swap3A_28 {strides = array<i32>} : memref<512xi32, #tpu.memory_space<vmem>>, vector<16xi32>,
    %get3A_29 = arith.constant 16 : index
    %get3A_30 = tpu.vector_load %arg7[%get3A_29] {strides = array<i32>} : memref<512xi32, #tpu.memory_space<vmem>>, vector<16xi32>,
    %get3A_31 = vector.shape_cast %get3A_30 : vector<16xi32> to vector<16xi32>
    %max3A_32 = arith.maxsi %get3A_31, %broadcast_in_dim3A_5 : vector<16xi32>
    %min3A_33 = arith.minsi %max3A_32, %broadcast_in_dim3A_3 : vector<16xi32>
    %get3A_34 = arith.constant 16 : index
    %get3A_35 = tpu.vector_load %arg8[%get3A_34] {strides = array<i32>} : memref<512xi32, #tpu.memory_space<vmem>>, vector<16xi32>,
    %get3A_36 = vector.shape_cast %get3A_35 : vector<16xi32> to vector<16xi32>
    %max3A_37 = arith.maxsi %get3A_36, %broadcast_in_dim3A_5 : vector<16xi32>
    %min3A_38 = arith.minsi %max3A_37, %broadcast_in_dim3A_3 : vector<16xi32>
    %get3A_39 = arith.constant 16 : index
    %get3A_40 = tpu.vector_load %arg9[%get3A_39] {strides = array<i32>} : memref<512xi32, #tpu.memory_space<vmem>>, vector<16xi32>,
    %get3A_41 = vector.shape_cast %get3A_40 : vector<16xi32> to vector<16xi32>
    %max3A_42 = arith.maxsi %get3A_41, %broadcast_in_dim3A_5 : vector<16xi32>
    %min3A_43 = arith.minsi %max3A_42, %broadcast_in_dim3A_3 : vector<16xi32>
    %mul3A_44 = arith.constant 10000 : i32
    %mul3A_45 = vector.broadcast %mul3A_44 : i32 to vector<16xi32>
    %mul3A_46 = arith.muli %min3A_33, %mul3A_45 : vector<16xi32>
    %mul3A_47 = arith.constant 100 : i32
    %mul3A_48 = vector.broadcast %mul3A_47 : i32 to vector<16xi32>
    %mul3A_49 = arith.muli %min3A_38, %mul3A_48 : vector<16xi32>
    %add3A_50 = arith.addi %mul3A_46, %mul3A_49 : vector<16xi32>
    %add3A_51 = arith.addi %add3A_50, %min3A_43 : vector<16xi32>
    %swap3A_52 = arith.constant 16 : index
    %swap3A_53 = tpu.vector_load %arg10[%swap3A_52] {strides = array<i32>} : memref<512xi32, #tpu.memory_space<vmem>>, vector<16xi32>,
    %swap3A_54 = vector.shape_cast %swap3A_53 : vector<16xi32> to vector<16xi32>
    %swap3A_55 = vector.shape_cast %add3A_51 : vector<16xi32> to vector<16xi32>
    tpu.vector_store %arg10[%swap3A_52], %swap3A_55 {strides = array<i32>} : memref<512xi32, #tpu.memory_space<vmem>>, vector<16xi32>,
    %get3A_56 = arith.constant 32 : index
    %get3A_57 = tpu.vector_load %arg7[%get3A_56] {strides = array<i32>} : memref<512xi32, #tpu.memory_space<vmem>>, vector<16xi32>,
    %get3A_58 = vector.shape_cast %get3A_57 : vector<16xi32> to vector<16xi32>
    %max3A_59 = arith.maxsi %get3A_58, %broadcast_in_dim3A_5 : vector<16xi32>
    %min3A_60 = arith.minsi %max3A_59, %broadcast_in_dim3A_3 : vector<16xi32>
    %get3A_61 = arith.constant 32 : index
    %get3A_62 = tpu.vector_load %arg8[%get3A_61] {strides = array<i32>} : memref<512xi32, #tpu.memory_space<vmem>>, vector<16xi32>,
    %get3A_63 = vector.shape_cast %get3A_62 : vector<16xi32> to vector<16xi32>
    %max3A_64 = arith.maxsi %get3A_63, %broadcast_in_dim3A_5 : vector<16xi32>
    %min3A_65 = arith.minsi %max3A_64, %broadcast_in_dim3A_3 : vector<16xi32>
    %get3A_66 = arith.constant 32 : index
    %get3A_67 = tpu.vector_load %arg9[%get3A_66] {strides = array<i32>} : memref<512xi32, #tpu.memory_space<vmem>>, vector<16xi32>,
    %get3A_68 = vector.shape_cast %get3A_67 : vector<16xi32> to vector<16xi32>
    %max3A_69 = arith.maxsi %get3A_68, %broadcast_in_dim3A_5 : vector<16xi32>
    %min3A_70 = arith.minsi %max3A_69, %broadcast_in_dim3A_3 : vector<16xi32>
    %mul3A_71 = arith.constant 10000 : i32
    %mul3A_72 = vector.broadcast %mul3A_71 : i32 to vector<16xi32>
    %mul3A_73 = arith.muli %min3A_60, %mul3A_72 : vector<16xi32>
    %mul3A_74 = arith.constant 100 : i32
    %mul3A_75 = vector.broadcast %mul3A_74 : i32 to vector<16xi32>
    %mul3A_76 = arith.muli %min3A_65, %mul3A_75 : vector<16xi32>
    %add3A_77 = arith.addi %mul3A_73, %mul3A_76 : vector<16xi32>
    %add3A_78 = arith.addi %add3A_77, %min3A_70 : vector<16xi32>
    %swap3A_79 = arith.constant 32 : index
    %swap3A_80 = tpu.vector_load %arg10[%swap3A_79] {strides = array<i32>} : memref<512xi32, #tpu.memory_space<vmem>>, vector<16xi32>,
    %swap3A_81 = vector.shape_cast %swap3A_80 : vector<16xi32> to vector<16xi32>
    %swap3A_82 = vector.shape_cast %add3A_78 : vector<16xi32> to vector<16xi32>
    tpu.vector_store %arg10[%swap3A_79], %swap3A_82 {strides = array<i32>} : memref<512xi32, #tpu.memory_space<vmem>>, vector<16xi32>,
    %get3A_83 = arith.constant 48 : index
    %get3A_84 = tpu.vector_load %arg7[%get3A_83] {strides = array<i32>} : memref<512xi32, #tpu.memory_space<vmem>>, vector<16xi32>,
    %get3A_85 = vector.shape_cast %get3A_84 : vector<16xi32> to vector<16xi32>
    %max3A_86 = arith.maxsi %get3A_85, %broadcast_in_dim3A_5 : vector<16xi32>
    %min3A_87 = arith.minsi %max3A_86, %broadcast_in_dim3A_3 : vector<16xi32>
    %get3A_88 = arith.constant 48 : index
    %get3A_89 = tpu.vector_load %arg8[%get3A_88] {strides = array<i32>} : memref<512xi32, #tpu.memory_space<vmem>>, vector<16xi32>,
    %get3A_90 = vector.shape_cast %get3A_89 : vector<16xi32> to vector<16xi32>
    %max3A_91 = arith.maxsi %get3A_90, %broadcast_in_dim3A_5 : vector<16xi32>
    %min3A_92 = arith.minsi %max3A_91, %broadcast_in_dim3A_3 : vector<16xi32>
    %get3A_93 = arith.constant 48 : index
    %get3A_94 = tpu.vector_load %arg9[%get3A_93] {strides = array<i32>} : memref<512xi32, #tpu.memory_space<vmem>>, vector<16xi32>,
    %get3A_95 = vector.shape_cast %get3A_94 : vector<16xi32> to vector<16xi32>
    %max3A_96 = arith.maxsi %get3A_95, %broadcast_in_dim3A_5 : vector<16xi32>
    %min3A_97 = arith.minsi %max3A_96, %broadcast_in_dim3A_3 : vector<16xi32>
    %mul3A_98 = arith.constant 10000 : i32
    %mul3A_99 = vector.broadcast %mul3A_98 : i32 to vector<16xi32>
    %mul3A_100 = arith.muli %min3A_87, %mul3A_99 : vector<16xi32>
    %mul3A_101 = arith.constant 100 : i32
    %mul3A_102 = vector.broadcast %mul3A_101 : i32 to vector<16xi32>
    %mul3A_103 = arith.muli %min3A_92, %mul3A_102 : vector<16xi32>
    %add3A_104 = arith.addi %mul3A_100, %mul3A_103 : vector<16xi32>
    %add3A_105 = arith.addi %add3A_104, %min3A_97 : vector<16xi32>
    %swap3A_106 = arith.constant 48 : index
    %swap3A_107 = tpu.vector_load %arg10[%swap3A_106] {strides = array<i32>} : memref<512xi32, #tpu.memory_space<vmem>>, vector<16xi32>,
    %swap3A_108 = vector.shape_cast %swap3A_107 : vector<16xi32> to vector<16xi32>
    %swap3A_109 = vector.shape_cast %add3A_105 : vector<16xi32> to vector<16xi32>
    tpu.vector_store %arg10[%swap3A_106], %swap3A_109 {strides = array<i32>} : memref<512xi32, #tpu.memory_space<vmem>>, vector<16xi32>,
    %get3A_110 = arith.constant 64 : index
    %get3A_111 = tpu.vector_load %arg7[%get3A_110] {strides = array<i32>} : memref<512xi32, #tpu.memory_space<vmem>>, vector<16xi32>,
    %get3A_112 = vector.shape_cast %get3A_111 : vector<16xi32> to vector<16xi32>
    %max3A_113 = arith.maxsi %get3A_112, %broadcast_in_dim3A_5 : vector<16xi32>
    %min3A_114 = arith.minsi %max3A_113, %broadcast_in_dim3A_3 : vector<16xi32>
    %get3A_115 = arith.constant 64 : index
    %get3A_116 = tpu.vector_load %arg8[%get3A_115] {strides = array<i32>} : memref<512xi32, #tpu.memory_space<vmem>>, vector<16xi32>,
    %get3A_117 = vector.shape_cast %get3A_116 : vector<16xi32> to vector<16xi32>
    %max3A_118 = arith.maxsi %get3A_117, %broadcast_in_dim3A_5 : vector<16xi32>
    %min3A_119 = arith.minsi %max3A_118, %broadcast_in_dim3A_3 : vector<16xi32>
    %get3A_120 = arith.constant 64 : index
    %get3A_121 = tpu.vector_load %arg9[%get3A_120] {strides = array<i32>} : memref<512xi32, #tpu.memory_space<vmem>>, vector<16xi32>,
    %get3A_122 = vector.shape_cast %get3A_121 : vector<16xi32> to vector<16xi32>
    %max3A_123 = arith.maxsi %get3A_122, %broadcast_in_dim3A_5 : vector<16xi32>
    %min3A_124 = arith.minsi %max3A_123, %broadcast_in_dim3A_3 : vector<16xi32>
    %mul3A_125 = arith.constant 10000 : i32
    %mul3A_126 = vector.broadcast %mul3A_125 : i32 to vector<16xi32>
    %mul3A_127 = arith.muli %min3A_114, %mul3A_126 : vector<16xi32>
    %mul3A_128 = arith.constant 100 : i32
    %mul3A_129 = vector.broadcast %mul3A_128 : i32 to vector<16xi32>
    %mul3A_130 = arith.muli %min3A_119, %mul3A_129 : vector<16xi32>
    %add3A_131 = arith.addi %mul3A_127, %mul3A_130 : vector<16xi32>
    %add3A_132 = arith.addi %add3A_131, %min3A_124 : vector<16xi32>
    %swap3A_133 = arith.constant 64 : index
    %swap3A_134 = tpu.vector_load %arg10[%swap3A_133] {strides = array<i32>} : memref<512xi32, #tpu.memory_space<vmem>>, vector<16xi32>,
    %swap3A_135 = vector.shape_cast %swap3A_134 : vector<16xi32> to vector<16xi32>
    %swap3A_136 = vector.shape_cast %add3A_132 : vector<16xi32> to vector<16xi32>
    tpu.vector_store %arg10[%swap3A_133], %swap3A_136 {strides = array<i32>} : memref<512xi32, #tpu.memory_space<vmem>>, vector<16xi32>,
    %get3A_137 = arith.constant 80 : index
    %get3A_138 = tpu.vector_load %arg7[%get3A_137] {strides = array<i32>} : memref<512xi32, #tpu.memory_space<vmem>>, vector<16xi32>,
    %get3A_139 = vector.shape_cast %get3A_138 : vector<16xi32> to vector<16xi32>
    %max3A_140 = arith.maxsi %get3A_139, %broadcast_in_dim3A_5 : vector<16xi32>
    %min3A_141 = arith.minsi %max3A_140, %broadcast_in_dim3A_3 : vector<16xi32>
    %get3A_142 = arith.constant 80 : index
    %get3A_143 = tpu.vector_load %arg8[%get3A_142] {strides = array<i32>} : memref<512xi32, #tpu.memory_space<vmem>>, vector<16xi32>,
    %get3A_144 = vector.shape_cast %get3A_143 : vector<16xi32> to vector<16xi32>
    %max3A_145 = arith.maxsi %get3A_144, %broadcast_in_dim3A_5 : vector<16xi32>
    %min3A_146 = arith.minsi %max3A_145, %broadcast_in_dim3A_3 : vector<16xi32>
    %get3A_147 = arith.constant 80 : index
    %get3A_148 = tpu.vector_load %arg9[%get3A_147] {strides = array<i32>} : memref<512xi32, #tpu.memory_space<vmem>>, vector<16xi32>,
    %get3A_149 = vector.shape_cast %get3A_148 : vector<16xi32> to vector<16xi32>
    %max3A_150 = arith.maxsi %get3A_149, %broadcast_in_dim3A_5 : vector<16xi32>
    %min3A_151 = arith.minsi %max3A_150, %broadcast_in_dim3A_3 : vector<16xi32>
    %mul3A_152 = arith.constant 10000 : i32
    %mul3A_153 = vector.broadcast %mul3A_152 : i32 to vector<16xi32>
    %mul3A_154 = arith.muli %min3A_141, %mul3A_153 : vector<16xi32>
    %mul3A_155 = arith.constant 100 : i32
    %mul3A_156 = vector.broadcast %mul3A_155 : i32 to vector<16xi32>
    %mul3A_157 = arith.muli %min3A_146, %mul3A_156 : vector<16xi32>
    %add3A_158 = arith.addi %mul3A_154, %mul3A_157 : vector<16xi32>
    %add3A_159 = arith.addi %add3A_158, %min3A_151 : vector<16xi32>
    %swap3A_160 = arith.constant 80 : index
    %swap3A_161 = tpu.vector_load %arg10[%swap3A_160] {strides = array<i32>} : memref<512xi32, #tpu.memory_space<vmem>>, vector<16xi32>,
    %swap3A_162 = vector.shape_cast %swap3A_161 : vector<16xi32> to vector<16xi32>
    %swap3A_163 = vector.shape_cast %add3A_159 : vector<16xi32> to vector<16xi32>
    tpu.vector_store %arg10[%swap3A_160], %swap3A_163 {strides = array<i32>} : memref<512xi32, #tpu.memory_space<vmem>>, vector<16xi32>,
    %get3A_164 = arith.constant 96 : index
    %get3A_165 = tpu.vector_load %arg7[%get3A_164] {strides = array<i32>} : memref<512xi32, #tpu.memory_space<vmem>>, vector<16xi32>,
    %get3A_166 = vector.shape_cast %get3A_165 : vector<16xi32> to vector<16xi32>
    %max3A_167 = arith.maxsi %get3A_166, %broadcast_in_dim3A_5 : vector<16xi32>
    %min3A_168 = arith.minsi %max3A_167, %broadcast_in_dim3A_3 : vector<16xi32>
    %get3A_169 = arith.constant 96 : index
    %get3A_170 = tpu.vector_load %arg8[%get3A_169] {strides = array<i32>} : memref<512xi32, #tpu.memory_space<vmem>>, vector<16xi32>,
    %get3A_171 = vector.shape_cast %get3A_170 : vector<16xi32> to vector<16xi32>
    %max3A_172 = arith.maxsi %get3A_171, %broadcast_in_dim3A_5 : vector<16xi32>
    %min3A_173 = arith.minsi %max3A_172, %broadcast_in_dim3A_3 : vector<16xi32>
    %get3A_174 = arith.constant 96 : index
    %get3A_175 = tpu.vector_load %arg9[%get3A_174] {strides = array<i32>} : memref<512xi32, #tpu.memory_space<vmem>>, vector<16xi32>,
    %get3A_176 = vector.shape_cast %get3A_175 : vector<16xi32> to vector<16xi32>
    %max3A_177 = arith.maxsi %get3A_176, %broadcast_in_dim3A_5 : vector<16xi32>
    %min3A_178 = arith.minsi %max3A_177, %broadcast_in_dim3A_3 : vector<16xi32>
    %mul3A_179 = arith.constant 10000 : i32
    %mul3A_180 = vector.broadcast %mul3A_179 : i32 to vector<16xi32>
    %mul3A_181 = arith.muli %min3A_168, %mul3A_180 : vector<16xi32>
    %mul3A_182 = arith.constant 100 : i32
    %mul3A_183 = vector.broadcast %mul3A_182 : i32 to vector<16xi32>
    %mul3A_184 = arith.muli %min3A_173, %mul3A_183 : vector<16xi32>
    %add3A_185 = arith.addi %mul3A_181, %mul3A_184 : vector<16xi32>
    %add3A_186 = arith.addi %add3A_185, %min3A_178 : vector<16xi32>
    %swap3A_187 = arith.constant 96 : index
    %swap3A_188 = tpu.vector_load %arg10[%swap3A_187] {strides = array<i32>} : memref<512xi32, #tpu.memory_space<vmem>>, vector<16xi32>,
    %swap3A_189 = vector.shape_cast %swap3A_188 : vector<16xi32> to vector<16xi32>
    %swap3A_190 = vector.shape_cast %add3A_186 : vector<16xi32> to vector<16xi32>
    tpu.vector_store %arg10[%swap3A_187], %swap3A_190 {strides = array<i32>} : memref<512xi32, #tpu.memory_space<vmem>>, vector<16xi32>,
    %get3A_191 = arith.constant 112 : index
    %get3A_192 = tpu.vector_load %arg7[%get3A_191] {strides = array<i32>} : memref<512xi32, #tpu.memory_space<vmem>>, vector<16xi32>,
    %get3A_193 = vector.shape_cast %get3A_192 : vector<16xi32> to vector<16xi32>
    %max3A_194 = arith.maxsi %get3A_193, %broadcast_in_dim3A_5 : vector<16xi32>
    %min3A_195 = arith.minsi %max3A_194, %broadcast_in_dim3A_3 : vector<16xi32>
    %get3A_196 = arith.constant 112 : index
    %get3A_197 = tpu.vector_load %arg8[%get3A_196] {strides = array<i32>} : memref<512xi32, #tpu.memory_space<vmem>>, vector<16xi32>,
    %get3A_198 = vector.shape_cast %get3A_197 : vector<16xi32> to vector<16xi32>
    %max3A_199 = arith.maxsi %get3A_198, %broadcast_in_dim3A_5 : vector<16xi32>
    %min3A_200 = arith.minsi %max3A_199, %broadcast_in_dim3A_3 : vector<16xi32>
    %get3A_201 = arith.constant 112 : index
    %get3A_202 = tpu.vector_load %arg9[%get3A_201] {strides = array<i32>} : memref<512xi32, #tpu.memory_space<vmem>>, vector<16xi32>,
    %get3A_203 = vector.shape_cast %get3A_202 : vector<16xi32> to vector<16xi32>
    %max3A_204 = arith.maxsi %get3A_203, %broadcast_in_dim3A_5 : vector<16xi32>
    %min3A_205 = arith.minsi %max3A_204, %broadcast_in_dim3A_3 : vector<16xi32>
    %mul3A_206 = arith.constant 10000 : i32
    %mul3A_207 = vector.broadcast %mul3A_206 : i32 to vector<16xi32>
    %mul3A_208 = arith.muli %min3A_195, %mul3A_207 : vector<16xi32>
    %mul3A_209 = arith.constant 100 : i32
    %mul3A_210 = vector.broadcast %mul3A_209 : i32 to vector<16xi32>
    %mul3A_211 = arith.muli %min3A_200, %mul3A_210 : vector<16xi32>
    %add3A_212 = arith.addi %mul3A_208, %mul3A_211 : vector<16xi32>
    %add3A_213 = arith.addi %add3A_212, %min3A_205 : vector<16xi32>
    %swap3A_214 = arith.constant 112 : index
    %swap3A_215 = tpu.vector_load %arg10[%swap3A_214] {strides = array<i32>} : memref<512xi32, #tpu.memory_space<vmem>>, vector<16xi32>,
    %swap3A_216 = vector.shape_cast %swap3A_215 : vector<16xi32> to vector<16xi32>
    %swap3A_217 = vector.shape_cast %add3A_213 : vector<16xi32> to vector<16xi32>
    tpu.vector_store %arg10[%swap3A_214], %swap3A_217 {strides = array<i32>} : memref<512xi32, #tpu.memory_space<vmem>>, vector<16xi32>,
    %get3A_218 = arith.constant 128 : index
    %get3A_219 = tpu.vector_load %arg7[%get3A_218] {strides = array<i32>} : memref<512xi32, #tpu.memory_space<vmem>>, vector<16xi32>,
    %get3A_220 = vector.shape_cast %get3A_219 : vector<16xi32> to vector<16xi32>
    %max3A_221 = arith.maxsi %get3A_220, %broadcast_in_dim3A_5 : vector<16xi32>
    %min3A_222 = arith.minsi %max3A_221, %broadcast_in_dim3A_3 : vector<16xi32>
    %get3A_223 = arith.constant 128 : index
    %get3A_224 = tpu.vector_load %arg8[%get3A_223] {strides = array<i32>} : memref<512xi32, #tpu.memory_space<vmem>>, vector<16xi32>,
    %get3A_225 = vector.shape_cast %get3A_224 : vector<16xi32> to vector<16xi32>
    %max3A_226 = arith.maxsi %get3A_225, %broadcast_in_dim3A_5 : vector<16xi32>
    %min3A_227 = arith.minsi %max3A_226, %broadcast_in_dim3A_3 : vector<16xi32>
    %get3A_228 = arith.constant 128 : index
    %get3A_229 = tpu.vector_load %arg9[%get3A_228] {strides = array<i32>} : memref<512xi32, #tpu.memory_space<vmem>>, vector<16xi32>,
    %get3A_230 = vector.shape_cast %get3A_229 : vector<16xi32> to vector<16xi32>
    %max3A_231 = arith.maxsi %get3A_230, %broadcast_in_dim3A_5 : vector<16xi32>
    %min3A_232 = arith.minsi %max3A_231, %broadcast_in_dim3A_3 : vector<16xi32>
    %mul3A_233 = arith.constant 10000 : i32
    %mul3A_234 = vector.broadcast %mul3A_233 : i32 to vector<16xi32>
    %mul3A_235 = arith.muli %min3A_222, %mul3A_234 : vector<16xi32>
    %mul3A_236 = arith.constant 100 : i32
    %mul3A_237 = vector.broadcast %mul3A_236 : i32 to vector<16xi32>
    %mul3A_238 = arith.muli %min3A_227, %mul3A_237 : vector<16xi32>
    %add3A_239 = arith.addi %mul3A_235, %mul3A_238 : vector<16xi32>
    %add3A_240 = arith.addi %add3A_239, %min3A_232 : vector<16xi32>
    %swap3A_241 = arith.constant 128 : index
    %swap3A_242 = tpu.vector_load %arg10[%swap3A_241] {strides = array<i32>} : memref<512xi32, #tpu.memory_space<vmem>>, vector<16xi32>,
    %swap3A_243 = vector.shape_cast %swap3A_242 : vector<16xi32> to vector<16xi32>
    %swap3A_244 = vector.shape_cast %add3A_240 : vector<16xi32> to vector<16xi32>
    tpu.vector_store %arg10[%swap3A_241], %swap3A_244 {strides = array<i32>} : memref<512xi32, #tpu.memory_space<vmem>>, vector<16xi32>,
    %get3A_245 = arith.constant 144 : index
    %get3A_246 = tpu.vector_load %arg7[%get3A_245] {strides = array<i32>} : memref<512xi32, #tpu.memory_space<vmem>>, vector<16xi32>,
    %get3A_247 = vector.shape_cast %get3A_246 : vector<16xi32> to vector<16xi32>
    %max3A_248 = arith.maxsi %get3A_247, %broadcast_in_dim3A_5 : vector<16xi32>
    %min3A_249 = arith.minsi %max3A_248, %broadcast_in_dim3A_3 : vector<16xi32>
    %get3A_250 = arith.constant 144 : index
    %get3A_251 = tpu.vector_load %arg8[%get3A_250] {strides = array<i32>} : memref<512xi32, #tpu.memory_space<vmem>>, vector<16xi32>,
    %get3A_252 = vector.shape_cast %get3A_251 : vector<16xi32> to vector<16xi32>
    %max3A_253 = arith.maxsi %get3A_252, %broadcast_in_dim3A_5 : vector<16xi32>
    %min3A_254 = arith.minsi %max3A_253, %broadcast_in_dim3A_3 : vector<16xi32>
    %get3A_255 = arith.constant 144 : index
    %get3A_256 = tpu.vector_load %arg9[%get3A_255] {strides = array<i32>} : memref<512xi32, #tpu.memory_space<vmem>>, vector<16xi32>,
    %get3A_257 = vector.shape_cast %get3A_256 : vector<16xi32> to vector<16xi32>
    %max3A_258 = arith.maxsi %get3A_257, %broadcast_in_dim3A_5 : vector<16xi32>
    %min3A_259 = arith.minsi %max3A_258, %broadcast_in_dim3A_3 : vector<16xi32>
    %mul3A_260 = arith.constant 10000 : i32
    %mul3A_261 = vector.broadcast %mul3A_260 : i32 to vector<16xi32>
    %mul3A_262 = arith.muli %min3A_249, %mul3A_261 : vector<16xi32>
    %mul3A_263 = arith.constant 100 : i32
    %mul3A_264 = vector.broadcast %mul3A_263 : i32 to vector<16xi32>
    %mul3A_265 = arith.muli %min3A_254, %mul3A_264 : vector<16xi32>
    %add3A_266 = arith.addi %mul3A_262, %mul3A_265 : vector<16xi32>
    %add3A_267 = arith.addi %add3A_266, %min3A_259 : vector<16xi32>
    %swap3A_268 = arith.constant 144 : index
    %swap3A_269 = tpu.vector_load %arg10[%swap3A_268] {strides = array<i32>} : memref<512xi32, #tpu.memory_space<vmem>>, vector<16xi32>,
    %swap3A_270 = vector.shape_cast %swap3A_269 : vector<16xi32> to vector<16xi32>
    %swap3A_271 = vector.shape_cast %add3A_267 : vector<16xi32> to vector<16xi32>
    tpu.vector_store %arg10[%swap3A_268], %swap3A_271 {strides = array<i32>} : memref<512xi32, #tpu.memory_space<vmem>>, vector<16xi32>,
    %get3A_272 = arith.constant 160 : index
    %get3A_273 = tpu.vector_load %arg7[%get3A_272] {strides = array<i32>} : memref<512xi32, #tpu.memory_space<vmem>>, vector<16xi32>,
    %get3A_274 = vector.shape_cast %get3A_273 : vector<16xi32> to vector<16xi32>
    %max3A_275 = arith.maxsi %get3A_274, %broadcast_in_dim3A_5 : vector<16xi32>
    %min3A_276 = arith.minsi %max3A_275, %broadcast_in_dim3A_3 : vector<16xi32>
    %get3A_277 = arith.constant 160 : index
    %get3A_278 = tpu.vector_load %arg8[%get3A_277] {strides = array<i32>} : memref<512xi32, #tpu.memory_space<vmem>>, vector<16xi32>,
    %get3A_279 = vector.shape_cast %get3A_278 : vector<16xi32> to vector<16xi32>
    %max3A_280 = arith.maxsi %get3A_279, %broadcast_in_dim3A_5 : vector<16xi32>
    %min3A_281 = arith.minsi %max3A_280, %broadcast_in_dim3A_3 : vector<16xi32>
    %get3A_282 = arith.constant 160 : index
    %get3A_283 = tpu.vector_load %arg9[%get3A_282] {strides = array<i32>} : memref<512xi32, #tpu.memory_space<vmem>>, vector<16xi32>,
    %get3A_284 = vector.shape_cast %get3A_283 : vector<16xi32> to vector<16xi32>
    %max3A_285 = arith.maxsi %get3A_284, %broadcast_in_dim3A_5 : vector<16xi32>
    %min3A_286 = arith.minsi %max3A_285, %broadcast_in_dim3A_3 : vector<16xi32>
    %mul3A_287 = arith.constant 10000 : i32
    %mul3A_288 = vector.broadcast %mul3A_287 : i32 to vector<16xi32>
    %mul3A_289 = arith.muli %min3A_276, %mul3A_288 : vector<16xi32>
    %mul3A_290 = arith.constant 100 : i32
    %mul3A_291 = vector.broadcast %mul3A_290 : i32 to vector<16xi32>
    %mul3A_292 = arith.muli %min3A_281, %mul3A_291 : vector<16xi32>
    %add3A_293 = arith.addi %mul3A_289, %mul3A_292 : vector<16xi32>
    %add3A_294 = arith.addi %add3A_293, %min3A_286 : vector<16xi32>
    %swap3A_295 = arith.constant 160 : index
    %swap3A_296 = tpu.vector_load %arg10[%swap3A_295] {strides = array<i32>} : memref<512xi32, #tpu.memory_space<vmem>>, vector<16xi32>,
    %swap3A_297 = vector.shape_cast %swap3A_296 : vector<16xi32> to vector<16xi32>
    %swap3A_298 = vector.shape_cast %add3A_294 : vector<16xi32> to vector<16xi32>
    tpu.vector_store %arg10[%swap3A_295], %swap3A_298 {strides = array<i32>} : memref<512xi32, #tpu.memory_space<vmem>>, vector<16xi32>,
    %get3A_299 = arith.constant 176 : index
    %get3A_300 = tpu.vector_load %arg7[%get3A_299] {strides = array<i32>} : memref<512xi32, #tpu.memory_space<vmem>>, vector<16xi32>,
    %get3A_301 = vector.shape_cast %get3A_300 : vector<16xi32> to vector<16xi32>
    %max3A_302 = arith.maxsi %get3A_301, %broadcast_in_dim3A_5 : vector<16xi32>
    %min3A_303 = arith.minsi %max3A_302, %broadcast_in_dim3A_3 : vector<16xi32>
    %get3A_304 = arith.constant 176 : index
    %get3A_305 = tpu.vector_load %arg8[%get3A_304] {strides = array<i32>} : memref<512xi32, #tpu.memory_space<vmem>>, vector<16xi32>,
    %get3A_306 = vector.shape_cast %get3A_305 : vector<16xi32> to vector<16xi32>
    %max3A_307 = arith.maxsi %get3A_306, %broadcast_in_dim3A_5 : vector<16xi32>
    %min3A_308 = arith.minsi %max3A_307, %broadcast_in_dim3A_3 : vector<16xi32>
    %get3A_309 = arith.constant 176 : index
    %get3A_310 = tpu.vector_load %arg9[%get3A_309] {strides = array<i32>} : memref<512xi32, #tpu.memory_space<vmem>>, vector<16xi32>,
    %get3A_311 = vector.shape_cast %get3A_310 : vector<16xi32> to vector<16xi32>
    %max3A_312 = arith.maxsi %get3A_311, %broadcast_in_dim3A_5 : vector<16xi32>
    %min3A_313 = arith.minsi %max3A_312, %broadcast_in_dim3A_3 : vector<16xi32>
    %mul3A_314 = arith.constant 10000 : i32
    %mul3A_315 = vector.broadcast %mul3A_314 : i32 to vector<16xi32>
    %mul3A_316 = arith.muli %min3A_303, %mul3A_315 : vector<16xi32>
    %mul3A_317 = arith.constant 100 : i32
    %mul3A_318 = vector.broadcast %mul3A_317 : i32 to vector<16xi32>
    %mul3A_319 = arith.muli %min3A_308, %mul3A_318 : vector<16xi32>
    %add3A_320 = arith.addi %mul3A_316, %mul3A_319 : vector<16xi32>
    %add3A_321 = arith.addi %add3A_320, %min3A_313 : vector<16xi32>
    %swap3A_322 = arith.constant 176 : index
    %swap3A_323 = tpu.vector_load %arg10[%swap3A_322] {strides = array<i32>} : memref<512xi32, #tpu.memory_space<vmem>>, vector<16xi32>,
    %swap3A_324 = vector.shape_cast %swap3A_323 : vector<16xi32> to vector<16xi32>
    %swap3A_325 = vector.shape_cast %add3A_321 : vector<16xi32> to vector<16xi32>
    tpu.vector_store %arg10[%swap3A_322], %swap3A_325 {strides = array<i32>} : memref<512xi32, #tpu.memory_space<vmem>>, vector<16xi32>,
    %get3A_326 = arith.constant 192 : index
    %get3A_327 = tpu.vector_load %arg7[%get3A_326] {strides = array<i32>} : memref<512xi32, #tpu.memory_space<vmem>>, vector<16xi32>,
    %get3A_328 = vector.shape_cast %get3A_327 : vector<16xi32> to vector<16xi32>
    %max3A_329 = arith.maxsi %get3A_328, %broadcast_in_dim3A_5 : vector<16xi32>
    %min3A_330 = arith.minsi %max3A_329, %broadcast_in_dim3A_3 : vector<16xi32>
    %get3A_331 = arith.constant 192 : index
    %get3A_332 = tpu.vector_load %arg8[%get3A_331] {strides = array<i32>} : memref<512xi32, #tpu.memory_space<vmem>>, vector<16xi32>,
    %get3A_333 = vector.shape_cast %get3A_332 : vector<16xi32> to vector<16xi32>
    %max3A_334 = arith.maxsi %get3A_333, %broadcast_in_dim3A_5 : vector<16xi32>
    %min3A_335 = arith.minsi %max3A_334, %broadcast_in_dim3A_3 : vector<16xi32>
    %get3A_336 = arith.constant 192 : index
    %get3A_337 = tpu.vector_load %arg9[%get3A_336] {strides = array<i32>} : memref<512xi32, #tpu.memory_space<vmem>>, vector<16xi32>,
    %get3A_338 = vector.shape_cast %get3A_337 : vector<16xi32> to vector<16xi32>
    %max3A_339 = arith.maxsi %get3A_338, %broadcast_in_dim3A_5 : vector<16xi32>
    %min3A_340 = arith.minsi %max3A_339, %broadcast_in_dim3A_3 : vector<16xi32>
    %mul3A_341 = arith.constant 10000 : i32
    %mul3A_342 = vector.broadcast %mul3A_341 : i32 to vector<16xi32>
    %mul3A_343 = arith.muli %min3A_330, %mul3A_342 : vector<16xi32>
    %mul3A_344 = arith.constant 100 : i32
    %mul3A_345 = vector.broadcast %mul3A_344 : i32 to vector<16xi32>
    %mul3A_346 = arith.muli %min3A_335, %mul3A_345 : vector<16xi32>
    %add3A_347 = arith.addi %mul3A_343, %mul3A_346 : vector<16xi32>
    %add3A_348 = arith.addi %add3A_347, %min3A_340 : vector<16xi32>
    %swap3A_349 = arith.constant 192 : index
    %swap3A_350 = tpu.vector_load %arg10[%swap3A_349] {strides = array<i32>} : memref<512xi32, #tpu.memory_space<vmem>>, vector<16xi32>,
    %swap3A_351 = vector.shape_cast %swap3A_350 : vector<16xi32> to vector<16xi32>
    %swap3A_352 = vector.shape_cast %add3A_348 : vector<16xi32> to vector<16xi32>
    tpu.vector_store %arg10[%swap3A_349], %swap3A_352 {strides = array<i32>} : memref<512xi32, #tpu.memory_space<vmem>>, vector<16xi32>,
    %get3A_353 = arith.constant 208 : index
    %get3A_354 = tpu.vector_load %arg7[%get3A_353] {strides = array<i32>} : memref<512xi32, #tpu.memory_space<vmem>>, vector<16xi32>,
    %get3A_355 = vector.shape_cast %get3A_354 : vector<16xi32> to vector<16xi32>
    %max3A_356 = arith.maxsi %get3A_355, %broadcast_in_dim3A_5 : vector<16xi32>
    %min3A_357 = arith.minsi %max3A_356, %broadcast_in_dim3A_3 : vector<16xi32>
    %get3A_358 = arith.constant 208 : index
    %get3A_359 = tpu.vector_load %arg8[%get3A_358] {strides = array<i32>} : memref<512xi32, #tpu.memory_space<vmem>>, vector<16xi32>,
    %get3A_360 = vector.shape_cast %get3A_359 : vector<16xi32> to vector<16xi32>
    %max3A_361 = arith.maxsi %get3A_360, %broadcast_in_dim3A_5 : vector<16xi32>
    %min3A_362 = arith.minsi %max3A_361, %broadcast_in_dim3A_3 : vector<16xi32>
    %get3A_363 = arith.constant 208 : index
    %get3A_364 = tpu.vector_load %arg9[%get3A_363] {strides = array<i32>} : memref<512xi32, #tpu.memory_space<vmem>>, vector<16xi32>,
    %get3A_365 = vector.shape_cast %get3A_364 : vector<16xi32> to vector<16xi32>
    %max3A_366 = arith.maxsi %get3A_365, %broadcast_in_dim3A_5 : vector<16xi32>
    %min3A_367 = arith.minsi %max3A_366, %broadcast_in_dim3A_3 : vector<16xi32>
    %mul3A_368 = arith.constant 10000 : i32
    %mul3A_369 = vector.broadcast %mul3A_368 : i32 to vector<16xi32>
    %mul3A_370 = arith.muli %min3A_357, %mul3A_369 : vector<16xi32>
    %mul3A_371 = arith.constant 100 : i32
    %mul3A_372 = vector.broadcast %mul3A_371 : i32 to vector<16xi32>
    %mul3A_373 = arith.muli %min3A_362, %mul3A_372 : vector<16xi32>
    %add3A_374 = arith.addi %mul3A_370, %mul3A_373 : vector<16xi32>
    %add3A_375 = arith.addi %add3A_374, %min3A_367 : vector<16xi32>
    %swap3A_376 = arith.constant 208 : index
    %swap3A_377 = tpu.vector_load %arg10[%swap3A_376] {strides = array<i32>} : memref<512xi32, #tpu.memory_space<vmem>>, vector<16xi32>,
    %swap3A_378 = vector.shape_cast %swap3A_377 : vector<16xi32> to vector<16xi32>
    %swap3A_379 = vector.shape_cast %add3A_375 : vector<16xi32> to vector<16xi32>
    tpu.vector_store %arg10[%swap3A_376], %swap3A_379 {strides = array<i32>} : memref<512xi32, #tpu.memory_space<vmem>>, vector<16xi32>,
    %get3A_380 = arith.constant 224 : index
    %get3A_381 = tpu.vector_load %arg7[%get3A_380] {strides = array<i32>} : memref<512xi32, #tpu.memory_space<vmem>>, vector<16xi32>,
    %get3A_382 = vector.shape_cast %get3A_381 : vector<16xi32> to vector<16xi32>
    %max3A_383 = arith.maxsi %get3A_382, %broadcast_in_dim3A_5 : vector<16xi32>
    %min3A_384 = arith.minsi %max3A_383, %broadcast_in_dim3A_3 : vector<16xi32>
    %get3A_385 = arith.constant 224 : index
    %get3A_386 = tpu.vector_load %arg8[%get3A_385] {strides = array<i32>} : memref<512xi32, #tpu.memory_space<vmem>>, vector<16xi32>,
    %get3A_387 = vector.shape_cast %get3A_386 : vector<16xi32> to vector<16xi32>
    %max3A_388 = arith.maxsi %get3A_387, %broadcast_in_dim3A_5 : vector<16xi32>
    %min3A_389 = arith.minsi %max3A_388, %broadcast_in_dim3A_3 : vector<16xi32>
    %get3A_390 = arith.constant 224 : index
    %get3A_391 = tpu.vector_load %arg9[%get3A_390] {strides = array<i32>} : memref<512xi32, #tpu.memory_space<vmem>>, vector<16xi32>,
    %get3A_392 = vector.shape_cast %get3A_391 : vector<16xi32> to vector<16xi32>
    %max3A_393 = arith.maxsi %get3A_392, %broadcast_in_dim3A_5 : vector<16xi32>
    %min3A_394 = arith.minsi %max3A_393, %broadcast_in_dim3A_3 : vector<16xi32>
    %mul3A_395 = arith.constant 10000 : i32
    %mul3A_396 = vector.broadcast %mul3A_395 : i32 to vector<16xi32>
    %mul3A_397 = arith.muli %min3A_384, %mul3A_396 : vector<16xi32>
    %mul3A_398 = arith.constant 100 : i32
    %mul3A_399 = vector.broadcast %mul3A_398 : i32 to vector<16xi32>
    %mul3A_400 = arith.muli %min3A_389, %mul3A_399 : vector<16xi32>
    %add3A_401 = arith.addi %mul3A_397, %mul3A_400 : vector<16xi32>
    %add3A_402 = arith.addi %add3A_401, %min3A_394 : vector<16xi32>
    %swap3A_403 = arith.constant 224 : index
    %swap3A_404 = tpu.vector_load %arg10[%swap3A_403] {strides = array<i32>} : memref<512xi32, #tpu.memory_space<vmem>>, vector<16xi32>,
    %swap3A_405 = vector.shape_cast %swap3A_404 : vector<16xi32> to vector<16xi32>
    %swap3A_406 = vector.shape_cast %add3A_402 : vector<16xi32> to vector<16xi32>
    tpu.vector_store %arg10[%swap3A_403], %swap3A_406 {strides = array<i32>} : memref<512xi32, #tpu.memory_space<vmem>>, vector<16xi32>,
    %get3A_407 = arith.constant 240 : index
    %get3A_408 = tpu.vector_load %arg7[%get3A_407] {strides = array<i32>} : memref<512xi32, #tpu.memory_space<vmem>>, vector<16xi32>,
    %get3A_409 = vector.shape_cast %get3A_408 : vector<16xi32> to vector<16xi32>
    %max3A_410 = arith.maxsi %get3A_409, %broadcast_in_dim3A_5 : vector<16xi32>
    %min3A_411 = arith.minsi %max3A_410, %broadcast_in_dim3A_3 : vector<16xi32>
    %get3A_412 = arith.constant 240 : index
    %get3A_413 = tpu.vector_load %arg8[%get3A_412] {strides = array<i32>} : memref<512xi32, #tpu.memory_space<vmem>>, vector<16xi32>,
    %get3A_414 = vector.shape_cast %get3A_413 : vector<16xi32> to vector<16xi32>
    %max3A_415 = arith.maxsi %get3A_414, %broadcast_in_dim3A_5 : vector<16xi32>
    %min3A_416 = arith.minsi %max3A_415, %broadcast_in_dim3A_3 : vector<16xi32>
    %get3A_417 = arith.constant 240 : index
    %get3A_418 = tpu.vector_load %arg9[%get3A_417] {strides = array<i32>} : memref<512xi32, #tpu.memory_space<vmem>>, vector<16xi32>,
    %get3A_419 = vector.shape_cast %get3A_418 : vector<16xi32> to vector<16xi32>
    %max3A_420 = arith.maxsi %get3A_419, %broadcast_in_dim3A_5 : vector<16xi32>
    %min3A_421 = arith.minsi %max3A_420, %broadcast_in_dim3A_3 : vector<16xi32>
    %mul3A_422 = arith.constant 10000 : i32
    %mul3A_423 = vector.broadcast %mul3A_422 : i32 to vector<16xi32>
    %mul3A_424 = arith.muli %min3A_411, %mul3A_423 : vector<16xi32>
    %mul3A_425 = arith.constant 100 : i32
    %mul3A_426 = vector.broadcast %mul3A_425 : i32 to vector<16xi32>
    %mul3A_427 = arith.muli %min3A_416, %mul3A_426 : vector<16xi32>
    %add3A_428 = arith.addi %mul3A_424, %mul3A_427 : vector<16xi32>
    %add3A_429 = arith.addi %add3A_428, %min3A_421 : vector<16xi32>
    %swap3A_430 = arith.constant 240 : index
    %swap3A_431 = tpu.vector_load %arg10[%swap3A_430] {strides = array<i32>} : memref<512xi32, #tpu.memory_space<vmem>>, vector<16xi32>,
    %swap3A_432 = vector.shape_cast %swap3A_431 : vector<16xi32> to vector<16xi32>
    %swap3A_433 = vector.shape_cast %add3A_429 : vector<16xi32> to vector<16xi32>
    tpu.vector_store %arg10[%swap3A_430], %swap3A_433 {strides = array<i32>} : memref<512xi32, #tpu.memory_space<vmem>>, vector<16xi32>,
    %get3A_434 = arith.constant 256 : index
    %get3A_435 = tpu.vector_load %arg7[%get3A_434] {strides = array<i32>} : memref<512xi32, #tpu.memory_space<vmem>>, vector<16xi32>,
    %get3A_436 = vector.shape_cast %get3A_435 : vector<16xi32> to vector<16xi32>
    %max3A_437 = arith.maxsi %get3A_436, %broadcast_in_dim3A_5 : vector<16xi32>
    %min3A_438 = arith.minsi %max3A_437, %broadcast_in_dim3A_3 : vector<16xi32>
    %get3A_439 = arith.constant 256 : index
    %get3A_440 = tpu.vector_load %arg8[%get3A_439] {strides = array<i32>} : memref<512xi32, #tpu.memory_space<vmem>>, vector<16xi32>,
    %get3A_441 = vector.shape_cast %get3A_440 : vector<16xi32> to vector<16xi32>
    %max3A_442 = arith.maxsi %get3A_441, %broadcast_in_dim3A_5 : vector<16xi32>
    %min3A_443 = arith.minsi %max3A_442, %broadcast_in_dim3A_3 : vector<16xi32>
    %get3A_444 = arith.constant 256 : index
    %get3A_445 = tpu.vector_load %arg9[%get3A_444] {strides = array<i32>} : memref<512xi32, #tpu.memory_space<vmem>>, vector<16xi32>,
    %get3A_446 = vector.shape_cast %get3A_445 : vector<16xi32> to vector<16xi32>
    %max3A_447 = arith.maxsi %get3A_446, %broadcast_in_dim3A_5 : vector<16xi32>
    %min3A_448 = arith.minsi %max3A_447, %broadcast_in_dim3A_3 : vector<16xi32>
    %mul3A_449 = arith.constant 10000 : i32
    %mul3A_450 = vector.broadcast %mul3A_449 : i32 to vector<16xi32>
    %mul3A_451 = arith.muli %min3A_438, %mul3A_450 : vector<16xi32>
    %mul3A_452 = arith.constant 100 : i32
    %mul3A_453 = vector.broadcast %mul3A_452 : i32 to vector<16xi32>
    %mul3A_454 = arith.muli %min3A_443, %mul3A_453 : vector<16xi32>
    %add3A_455 = arith.addi %mul3A_451, %mul3A_454 : vector<16xi32>
    %add3A_456 = arith.addi %add3A_455, %min3A_448 : vector<16xi32>
    %swap3A_457 = arith.constant 256 : index
    %swap3A_458 = tpu.vector_load %arg10[%swap3A_457] {strides = array<i32>} : memref<512xi32, #tpu.memory_space<vmem>>, vector<16xi32>,
    %swap3A_459 = vector.shape_cast %swap3A_458 : vector<16xi32> to vector<16xi32>
    %swap3A_460 = vector.shape_cast %add3A_456 : vector<16xi32> to vector<16xi32>
    tpu.vector_store %arg10[%swap3A_457], %swap3A_460 {strides = array<i32>} : memref<512xi32, #tpu.memory_space<vmem>>, vector<16xi32>,
    %get3A_461 = arith.constant 272 : index
    %get3A_462 = tpu.vector_load %arg7[%get3A_461] {strides = array<i32>} : memref<512xi32, #tpu.memory_space<vmem>>, vector<16xi32>,
    %get3A_463 = vector.shape_cast %get3A_462 : vector<16xi32> to vector<16xi32>
    %max3A_464 = arith.maxsi %get3A_463, %broadcast_in_dim3A_5 : vector<16xi32>
    %min3A_465 = arith.minsi %max3A_464, %broadcast_in_dim3A_3 : vector<16xi32>
    %get3A_466 = arith.constant 272 : index
    %get3A_467 = tpu.vector_load %arg8[%get3A_466] {strides = array<i32>} : memref<512xi32, #tpu.memory_space<vmem>>, vector<16xi32>,
    %get3A_468 = vector.shape_cast %get3A_467 : vector<16xi32> to vector<16xi32>
    %max3A_469 = arith.maxsi %get3A_468, %broadcast_in_dim3A_5 : vector<16xi32>
    %min3A_470 = arith.minsi %max3A_469, %broadcast_in_dim3A_3 : vector<16xi32>
    %get3A_471 = arith.constant 272 : index
    %get3A_472 = tpu.vector_load %arg9[%get3A_471] {strides = array<i32>} : memref<512xi32, #tpu.memory_space<vmem>>, vector<16xi32>,
    %get3A_473 = vector.shape_cast %get3A_472 : vector<16xi32> to vector<16xi32>
    %max3A_474 = arith.maxsi %get3A_473, %broadcast_in_dim3A_5 : vector<16xi32>
    %min3A_475 = arith.minsi %max3A_474, %broadcast_in_dim3A_3 : vector<16xi32>
    %mul3A_476 = arith.constant 10000 : i32
    %mul3A_477 = vector.broadcast %mul3A_476 : i32 to vector<16xi32>
    %mul3A_478 = arith.muli %min3A_465, %mul3A_477 : vector<16xi32>
    %mul3A_479 = arith.constant 100 : i32
    %mul3A_480 = vector.broadcast %mul3A_479 : i32 to vector<16xi32>
    %mul3A_481 = arith.muli %min3A_470, %mul3A_480 : vector<16xi32>
    %add3A_482 = arith.addi %mul3A_478, %mul3A_481 : vector<16xi32>
    %add3A_483 = arith.addi %add3A_482, %min3A_475 : vector<16xi32>
    %swap3A_484 = arith.constant 272 : index
    %swap3A_485 = tpu.vector_load %arg10[%swap3A_484] {strides = array<i32>} : memref<512xi32, #tpu.memory_space<vmem>>, vector<16xi32>,
    %swap3A_486 = vector.shape_cast %swap3A_485 : vector<16xi32> to vector<16xi32>
    %swap3A_487 = vector.shape_cast %add3A_483 : vector<16xi32> to vector<16xi32>
    tpu.vector_store %arg10[%swap3A_484], %swap3A_487 {strides = array<i32>} : memref<512xi32, #tpu.memory_space<vmem>>, vector<16xi32>,
    %get3A_488 = arith.constant 288 : index
    %get3A_489 = tpu.vector_load %arg7[%get3A_488] {strides = array<i32>} : memref<512xi32, #tpu.memory_space<vmem>>, vector<16xi32>,
    %get3A_490 = vector.shape_cast %get3A_489 : vector<16xi32> to vector<16xi32>
    %max3A_491 = arith.maxsi %get3A_490, %broadcast_in_dim3A_5 : vector<16xi32>
    %min3A_492 = arith.minsi %max3A_491, %broadcast_in_dim3A_3 : vector<16xi32>
    %get3A_493 = arith.constant 288 : index
    %get3A_494 = tpu.vector_load %arg8[%get3A_493] {strides = array<i32>} : memref<512xi32, #tpu.memory_space<vmem>>, vector<16xi32>,
    %get3A_495 = vector.shape_cast %get3A_494 : vector<16xi32> to vector<16xi32>
    %max3A_496 = arith.maxsi %get3A_495, %broadcast_in_dim3A_5 : vector<16xi32>
    %min3A_497 = arith.minsi %max3A_496, %broadcast_in_dim3A_3 : vector<16xi32>
    %get3A_498 = arith.constant 288 : index
    %get3A_499 = tpu.vector_load %arg9[%get3A_498] {strides = array<i32>} : memref<512xi32, #tpu.memory_space<vmem>>, vector<16xi32>,
    %get3A_500 = vector.shape_cast %get3A_499 : vector<16xi32> to vector<16xi32>
    %max3A_501 = arith.maxsi %get3A_500, %broadcast_in_dim3A_5 : vector<16xi32>
    %min3A_502 = arith.minsi %max3A_501, %broadcast_in_dim3A_3 : vector<16xi32>
    %mul3A_503 = arith.constant 10000 : i32
    %mul3A_504 = vector.broadcast %mul3A_503 : i32 to vector<16xi32>
    %mul3A_505 = arith.muli %min3A_492, %mul3A_504 : vector<16xi32>
    %mul3A_506 = arith.constant 100 : i32
    %mul3A_507 = vector.broadcast %mul3A_506 : i32 to vector<16xi32>
    %mul3A_508 = arith.muli %min3A_497, %mul3A_507 : vector<16xi32>
    %add3A_509 = arith.addi %mul3A_505, %mul3A_508 : vector<16xi32>
    %add3A_510 = arith.addi %add3A_509, %min3A_502 : vector<16xi32>
    %swap3A_511 = arith.constant 288 : index
    %swap3A_512 = tpu.vector_load %arg10[%swap3A_511] {strides = array<i32>} : memref<512xi32, #tpu.memory_space<vmem>>, vector<16xi32>,
    %swap3A_513 = vector.shape_cast %swap3A_512 : vector<16xi32> to vector<16xi32>
    %swap3A_514 = vector.shape_cast %add3A_510 : vector<16xi32> to vector<16xi32>
    tpu.vector_store %arg10[%swap3A_511], %swap3A_514 {strides = array<i32>} : memref<512xi32, #tpu.memory_space<vmem>>, vector<16xi32>,
    %get3A_515 = arith.constant 304 : index
    %get3A_516 = tpu.vector_load %arg7[%get3A_515] {strides = array<i32>} : memref<512xi32, #tpu.memory_space<vmem>>, vector<16xi32>,
    %get3A_517 = vector.shape_cast %get3A_516 : vector<16xi32> to vector<16xi32>
    %max3A_518 = arith.maxsi %get3A_517, %broadcast_in_dim3A_5 : vector<16xi32>
    %min3A_519 = arith.minsi %max3A_518, %broadcast_in_dim3A_3 : vector<16xi32>
    %get3A_520 = arith.constant 304 : index
    %get3A_521 = tpu.vector_load %arg8[%get3A_520] {strides = array<i32>} : memref<512xi32, #tpu.memory_space<vmem>>, vector<16xi32>,
    %get3A_522 = vector.shape_cast %get3A_521 : vector<16xi32> to vector<16xi32>
    %max3A_523 = arith.maxsi %get3A_522, %broadcast_in_dim3A_5 : vector<16xi32>
    %min3A_524 = arith.minsi %max3A_523, %broadcast_in_dim3A_3 : vector<16xi32>
    %get3A_525 = arith.constant 304 : index
    %get3A_526 = tpu.vector_load %arg9[%get3A_525] {strides = array<i32>} : memref<512xi32, #tpu.memory_space<vmem>>, vector<16xi32>,
    %get3A_527 = vector.shape_cast %get3A_526 : vector<16xi32> to vector<16xi32>
    %max3A_528 = arith.maxsi %get3A_527, %broadcast_in_dim3A_5 : vector<16xi32>
    %min3A_529 = arith.minsi %max3A_528, %broadcast_in_dim3A_3 : vector<16xi32>
    %mul3A_530 = arith.constant 10000 : i32
    %mul3A_531 = vector.broadcast %mul3A_530 : i32 to vector<16xi32>
    %mul3A_532 = arith.muli %min3A_519, %mul3A_531 : vector<16xi32>
    %mul3A_533 = arith.constant 100 : i32
    %mul3A_534 = vector.broadcast %mul3A_533 : i32 to vector<16xi32>
    %mul3A_535 = arith.muli %min3A_524, %mul3A_534 : vector<16xi32>
    %add3A_536 = arith.addi %mul3A_532, %mul3A_535 : vector<16xi32>
    %add3A_537 = arith.addi %add3A_536, %min3A_529 : vector<16xi32>
    %swap3A_538 = arith.constant 304 : index
    %swap3A_539 = tpu.vector_load %arg10[%swap3A_538] {strides = array<i32>} : memref<512xi32, #tpu.memory_space<vmem>>, vector<16xi32>,
    %swap3A_540 = vector.shape_cast %swap3A_539 : vector<16xi32> to vector<16xi32>
    %swap3A_541 = vector.shape_cast %add3A_537 : vector<16xi32> to vector<16xi32>
    tpu.vector_store %arg10[%swap3A_538], %swap3A_541 {strides = array<i32>} : memref<512xi32, #tpu.memory_space<vmem>>, vector<16xi32>,
    %get3A_542 = arith.constant 320 : index
    %get3A_543 = tpu.vector_load %arg7[%get3A_542] {strides = array<i32>} : memref<512xi32, #tpu.memory_space<vmem>>, vector<16xi32>,
    %get3A_544 = vector.shape_cast %get3A_543 : vector<16xi32> to vector<16xi32>
    %max3A_545 = arith.maxsi %get3A_544, %broadcast_in_dim3A_5 : vector<16xi32>
    %min3A_546 = arith.minsi %max3A_545, %broadcast_in_dim3A_3 : vector<16xi32>
    %get3A_547 = arith.constant 320 : index
    %get3A_548 = tpu.vector_load %arg8[%get3A_547] {strides = array<i32>} : memref<512xi32, #tpu.memory_space<vmem>>, vector<16xi32>,
    %get3A_549 = vector.shape_cast %get3A_548 : vector<16xi32> to vector<16xi32>
    %max3A_550 = arith.maxsi %get3A_549, %broadcast_in_dim3A_5 : vector<16xi32>
    %min3A_551 = arith.minsi %max3A_550, %broadcast_in_dim3A_3 : vector<16xi32>
    %get3A_552 = arith.constant 320 : index
    %get3A_553 = tpu.vector_load %arg9[%get3A_552] {strides = array<i32>} : memref<512xi32, #tpu.memory_space<vmem>>, vector<16xi32>,
    %get3A_554 = vector.shape_cast %get3A_553 : vector<16xi32> to vector<16xi32>
    %max3A_555 = arith.maxsi %get3A_554, %broadcast_in_dim3A_5 : vector<16xi32>
    %min3A_556 = arith.minsi %max3A_555, %broadcast_in_dim3A_3 : vector<16xi32>
    %mul3A_557 = arith.constant 10000 : i32
    %mul3A_558 = vector.broadcast %mul3A_557 : i32 to vector<16xi32>
    %mul3A_559 = arith.muli %min3A_546, %mul3A_558 : vector<16xi32>
    %mul3A_560 = arith.constant 100 : i32
    %mul3A_561 = vector.broadcast %mul3A_560 : i32 to vector<16xi32>
    %mul3A_562 = arith.muli %min3A_551, %mul3A_561 : vector<16xi32>
    %add3A_563 = arith.addi %mul3A_559, %mul3A_562 : vector<16xi32>
    %add3A_564 = arith.addi %add3A_563, %min3A_556 : vector<16xi32>
    %swap3A_565 = arith.constant 320 : index
    %swap3A_566 = tpu.vector_load %arg10[%swap3A_565] {strides = array<i32>} : memref<512xi32, #tpu.memory_space<vmem>>, vector<16xi32>,
    %swap3A_567 = vector.shape_cast %swap3A_566 : vector<16xi32> to vector<16xi32>
    %swap3A_568 = vector.shape_cast %add3A_564 : vector<16xi32> to vector<16xi32>
    tpu.vector_store %arg10[%swap3A_565], %swap3A_568 {strides = array<i32>} : memref<512xi32, #tpu.memory_space<vmem>>, vector<16xi32>,
    %get3A_569 = arith.constant 336 : index
    %get3A_570 = tpu.vector_load %arg7[%get3A_569] {strides = array<i32>} : memref<512xi32, #tpu.memory_space<vmem>>, vector<16xi32>,
    %get3A_571 = vector.shape_cast %get3A_570 : vector<16xi32> to vector<16xi32>
    %max3A_572 = arith.maxsi %get3A_571, %broadcast_in_dim3A_5 : vector<16xi32>
    %min3A_573 = arith.minsi %max3A_572, %broadcast_in_dim3A_3 : vector<16xi32>
    %get3A_574 = arith.constant 336 : index
    %get3A_575 = tpu.vector_load %arg8[%get3A_574] {strides = array<i32>} : memref<512xi32, #tpu.memory_space<vmem>>, vector<16xi32>,
    %get3A_576 = vector.shape_cast %get3A_575 : vector<16xi32> to vector<16xi32>
    %max3A_577 = arith.maxsi %get3A_576, %broadcast_in_dim3A_5 : vector<16xi32>
    %min3A_578 = arith.minsi %max3A_577, %broadcast_in_dim3A_3 : vector<16xi32>
    %get3A_579 = arith.constant 336 : index
    %get3A_580 = tpu.vector_load %arg9[%get3A_579] {strides = array<i32>} : memref<512xi32, #tpu.memory_space<vmem>>, vector<16xi32>,
    %get3A_581 = vector.shape_cast %get3A_580 : vector<16xi32> to vector<16xi32>
    %max3A_582 = arith.maxsi %get3A_581, %broadcast_in_dim3A_5 : vector<16xi32>
    %min3A_583 = arith.minsi %max3A_582, %broadcast_in_dim3A_3 : vector<16xi32>
    %mul3A_584 = arith.constant 10000 : i32
    %mul3A_585 = vector.broadcast %mul3A_584 : i32 to vector<16xi32>
    %mul3A_586 = arith.muli %min3A_573, %mul3A_585 : vector<16xi32>
    %mul3A_587 = arith.constant 100 : i32
    %mul3A_588 = vector.broadcast %mul3A_587 : i32 to vector<16xi32>
    %mul3A_589 = arith.muli %min3A_578, %mul3A_588 : vector<16xi32>
    %add3A_590 = arith.addi %mul3A_586, %mul3A_589 : vector<16xi32>
    %add3A_591 = arith.addi %add3A_590, %min3A_583 : vector<16xi32>
    %swap3A_592 = arith.constant 336 : index
    %swap3A_593 = tpu.vector_load %arg10[%swap3A_592] {strides = array<i32>} : memref<512xi32, #tpu.memory_space<vmem>>, vector<16xi32>,
    %swap3A_594 = vector.shape_cast %swap3A_593 : vector<16xi32> to vector<16xi32>
    %swap3A_595 = vector.shape_cast %add3A_591 : vector<16xi32> to vector<16xi32>
    tpu.vector_store %arg10[%swap3A_592], %swap3A_595 {strides = array<i32>} : memref<512xi32, #tpu.memory_space<vmem>>, vector<16xi32>,
    %get3A_596 = arith.constant 352 : index
    %get3A_597 = tpu.vector_load %arg7[%get3A_596] {strides = array<i32>} : memref<512xi32, #tpu.memory_space<vmem>>, vector<16xi32>,
    %get3A_598 = vector.shape_cast %get3A_597 : vector<16xi32> to vector<16xi32>
    %max3A_599 = arith.maxsi %get3A_598, %broadcast_in_dim3A_5 : vector<16xi32>
    %min3A_600 = arith.minsi %max3A_599, %broadcast_in_dim3A_3 : vector<16xi32>
    %get3A_601 = arith.constant 352 : index
    %get3A_602 = tpu.vector_load %arg8[%get3A_601] {strides = array<i32>} : memref<512xi32, #tpu.memory_space<vmem>>, vector<16xi32>,
    %get3A_603 = vector.shape_cast %get3A_602 : vector<16xi32> to vector<16xi32>
    %max3A_604 = arith.maxsi %get3A_603, %broadcast_in_dim3A_5 : vector<16xi32>
    %min3A_605 = arith.minsi %max3A_604, %broadcast_in_dim3A_3 : vector<16xi32>
    %get3A_606 = arith.constant 352 : index
    %get3A_607 = tpu.vector_load %arg9[%get3A_606] {strides = array<i32>} : memref<512xi32, #tpu.memory_space<vmem>>, vector<16xi32>,
    %get3A_608 = vector.shape_cast %get3A_607 : vector<16xi32> to vector<16xi32>
    %max3A_609 = arith.maxsi %get3A_608, %broadcast_in_dim3A_5 : vector<16xi32>
    %min3A_610 = arith.minsi %max3A_609, %broadcast_in_dim3A_3 : vector<16xi32>
    %mul3A_611 = arith.constant 10000 : i32
    %mul3A_612 = vector.broadcast %mul3A_611 : i32 to vector<16xi32>
    %mul3A_613 = arith.muli %min3A_600, %mul3A_612 : vector<16xi32>
    %mul3A_614 = arith.constant 100 : i32
    %mul3A_615 = vector.broadcast %mul3A_614 : i32 to vector<16xi32>
    %mul3A_616 = arith.muli %min3A_605, %mul3A_615 : vector<16xi32>
    %add3A_617 = arith.addi %mul3A_613, %mul3A_616 : vector<16xi32>
    %add3A_618 = arith.addi %add3A_617, %min3A_610 : vector<16xi32>
    %swap3A_619 = arith.constant 352 : index
    %swap3A_620 = tpu.vector_load %arg10[%swap3A_619] {strides = array<i32>} : memref<512xi32, #tpu.memory_space<vmem>>, vector<16xi32>,
    %swap3A_621 = vector.shape_cast %swap3A_620 : vector<16xi32> to vector<16xi32>
    %swap3A_622 = vector.shape_cast %add3A_618 : vector<16xi32> to vector<16xi32>
    tpu.vector_store %arg10[%swap3A_619], %swap3A_622 {strides = array<i32>} : memref<512xi32, #tpu.memory_space<vmem>>, vector<16xi32>,
    %get3A_623 = arith.constant 368 : index
    %get3A_624 = tpu.vector_load %arg7[%get3A_623] {strides = array<i32>} : memref<512xi32, #tpu.memory_space<vmem>>, vector<16xi32>,
    %get3A_625 = vector.shape_cast %get3A_624 : vector<16xi32> to vector<16xi32>
    %max3A_626 = arith.maxsi %get3A_625, %broadcast_in_dim3A_5 : vector<16xi32>
    %min3A_627 = arith.minsi %max3A_626, %broadcast_in_dim3A_3 : vector<16xi32>
    %get3A_628 = arith.constant 368 : index
    %get3A_629 = tpu.vector_load %arg8[%get3A_628] {strides = array<i32>} : memref<512xi32, #tpu.memory_space<vmem>>, vector<16xi32>,
    %get3A_630 = vector.shape_cast %get3A_629 : vector<16xi32> to vector<16xi32>
    %max3A_631 = arith.maxsi %get3A_630, %broadcast_in_dim3A_5 : vector<16xi32>
    %min3A_632 = arith.minsi %max3A_631, %broadcast_in_dim3A_3 : vector<16xi32>
    %get3A_633 = arith.constant 368 : index
    %get3A_634 = tpu.vector_load %arg9[%get3A_633] {strides = array<i32>} : memref<512xi32, #tpu.memory_space<vmem>>, vector<16xi32>,
    %get3A_635 = vector.shape_cast %get3A_634 : vector<16xi32> to vector<16xi32>
    %max3A_636 = arith.maxsi %get3A_635, %broadcast_in_dim3A_5 : vector<16xi32>
    %min3A_637 = arith.minsi %max3A_636, %broadcast_in_dim3A_3 : vector<16xi32>
    %mul3A_638 = arith.constant 10000 : i32
    %mul3A_639 = vector.broadcast %mul3A_638 : i32 to vector<16xi32>
    %mul3A_640 = arith.muli %min3A_627, %mul3A_639 : vector<16xi32>
    %mul3A_641 = arith.constant 100 : i32
    %mul3A_642 = vector.broadcast %mul3A_641 : i32 to vector<16xi32>
    %mul3A_643 = arith.muli %min3A_632, %mul3A_642 : vector<16xi32>
    %add3A_644 = arith.addi %mul3A_640, %mul3A_643 : vector<16xi32>
    %add3A_645 = arith.addi %add3A_644, %min3A_637 : vector<16xi32>
    %swap3A_646 = arith.constant 368 : index
    %swap3A_647 = tpu.vector_load %arg10[%swap3A_646] {strides = array<i32>} : memref<512xi32, #tpu.memory_space<vmem>>, vector<16xi32>,
    %swap3A_648 = vector.shape_cast %swap3A_647 : vector<16xi32> to vector<16xi32>
    %swap3A_649 = vector.shape_cast %add3A_645 : vector<16xi32> to vector<16xi32>
    tpu.vector_store %arg10[%swap3A_646], %swap3A_649 {strides = array<i32>} : memref<512xi32, #tpu.memory_space<vmem>>, vector<16xi32>,
    %get3A_650 = arith.constant 384 : index
    %get3A_651 = tpu.vector_load %arg7[%get3A_650] {strides = array<i32>} : memref<512xi32, #tpu.memory_space<vmem>>, vector<16xi32>,
    %get3A_652 = vector.shape_cast %get3A_651 : vector<16xi32> to vector<16xi32>
    %max3A_653 = arith.maxsi %get3A_652, %broadcast_in_dim3A_5 : vector<16xi32>
    %min3A_654 = arith.minsi %max3A_653, %broadcast_in_dim3A_3 : vector<16xi32>
    %get3A_655 = arith.constant 384 : index
    %get3A_656 = tpu.vector_load %arg8[%get3A_655] {strides = array<i32>} : memref<512xi32, #tpu.memory_space<vmem>>, vector<16xi32>,
    %get3A_657 = vector.shape_cast %get3A_656 : vector<16xi32> to vector<16xi32>
    %max3A_658 = arith.maxsi %get3A_657, %broadcast_in_dim3A_5 : vector<16xi32>
    %min3A_659 = arith.minsi %max3A_658, %broadcast_in_dim3A_3 : vector<16xi32>
    %get3A_660 = arith.constant 384 : index
    %get3A_661 = tpu.vector_load %arg9[%get3A_660] {strides = array<i32>} : memref<512xi32, #tpu.memory_space<vmem>>, vector<16xi32>,
    %get3A_662 = vector.shape_cast %get3A_661 : vector<16xi32> to vector<16xi32>
    %max3A_663 = arith.maxsi %get3A_662, %broadcast_in_dim3A_5 : vector<16xi32>
    %min3A_664 = arith.minsi %max3A_663, %broadcast_in_dim3A_3 : vector<16xi32>
    %mul3A_665 = arith.constant 10000 : i32
    %mul3A_666 = vector.broadcast %mul3A_665 : i32 to vector<16xi32>
    %mul3A_667 = arith.muli %min3A_654, %mul3A_666 : vector<16xi32>
    %mul3A_668 = arith.constant 100 : i32
    %mul3A_669 = vector.broadcast %mul3A_668 : i32 to vector<16xi32>
    %mul3A_670 = arith.muli %min3A_659, %mul3A_669 : vector<16xi32>
    %add3A_671 = arith.addi %mul3A_667, %mul3A_670 : vector<16xi32>
    %add3A_672 = arith.addi %add3A_671, %min3A_664 : vector<16xi32>
    %swap3A_673 = arith.constant 384 : index
    %swap3A_674 = tpu.vector_load %arg10[%swap3A_673] {strides = array<i32>} : memref<512xi32, #tpu.memory_space<vmem>>, vector<16xi32>,
    %swap3A_675 = vector.shape_cast %swap3A_674 : vector<16xi32> to vector<16xi32>
    %swap3A_676 = vector.shape_cast %add3A_672 : vector<16xi32> to vector<16xi32>
    tpu.vector_store %arg10[%swap3A_673], %swap3A_676 {strides = array<i32>} : memref<512xi32, #tpu.memory_space<vmem>>, vector<16xi32>,
    %get3A_677 = arith.constant 400 : index
    %get3A_678 = tpu.vector_load %arg7[%get3A_677] {strides = array<i32>} : memref<512xi32, #tpu.memory_space<vmem>>, vector<16xi32>,
    %get3A_679 = vector.shape_cast %get3A_678 : vector<16xi32> to vector<16xi32>
    %max3A_680 = arith.maxsi %get3A_679, %broadcast_in_dim3A_5 : vector<16xi32>
    %min3A_681 = arith.minsi %max3A_680, %broadcast_in_dim3A_3 : vector<16xi32>
    %get3A_682 = arith.constant 400 : index
    %get3A_683 = tpu.vector_load %arg8[%get3A_682] {strides = array<i32>} : memref<512xi32, #tpu.memory_space<vmem>>, vector<16xi32>,
    %get3A_684 = vector.shape_cast %get3A_683 : vector<16xi32> to vector<16xi32>
    %max3A_685 = arith.maxsi %get3A_684, %broadcast_in_dim3A_5 : vector<16xi32>
    %min3A_686 = arith.minsi %max3A_685, %broadcast_in_dim3A_3 : vector<16xi32>
    %get3A_687 = arith.constant 400 : index
    %get3A_688 = tpu.vector_load %arg9[%get3A_687] {strides = array<i32>} : memref<512xi32, #tpu.memory_space<vmem>>, vector<16xi32>,
    %get3A_689 = vector.shape_cast %get3A_688 : vector<16xi32> to vector<16xi32>
    %max3A_690 = arith.maxsi %get3A_689, %broadcast_in_dim3A_5 : vector<16xi32>
    %min3A_691 = arith.minsi %max3A_690, %broadcast_in_dim3A_3 : vector<16xi32>
    %mul3A_692 = arith.constant 10000 : i32
    %mul3A_693 = vector.broadcast %mul3A_692 : i32 to vector<16xi32>
    %mul3A_694 = arith.muli %min3A_681, %mul3A_693 : vector<16xi32>
    %mul3A_695 = arith.constant 100 : i32
    %mul3A_696 = vector.broadcast %mul3A_695 : i32 to vector<16xi32>
    %mul3A_697 = arith.muli %min3A_686, %mul3A_696 : vector<16xi32>
    %add3A_698 = arith.addi %mul3A_694, %mul3A_697 : vector<16xi32>
    %add3A_699 = arith.addi %add3A_698, %min3A_691 : vector<16xi32>
    %swap3A_700 = arith.constant 400 : index
    %swap3A_701 = tpu.vector_load %arg10[%swap3A_700] {strides = array<i32>} : memref<512xi32, #tpu.memory_space<vmem>>, vector<16xi32>,
    %swap3A_702 = vector.shape_cast %swap3A_701 : vector<16xi32> to vector<16xi32>
    %swap3A_703 = vector.shape_cast %add3A_699 : vector<16xi32> to vector<16xi32>
    tpu.vector_store %arg10[%swap3A_700], %swap3A_703 {strides = array<i32>} : memref<512xi32, #tpu.memory_space<vmem>>, vector<16xi32>,
    %get3A_704 = arith.constant 416 : index
    %get3A_705 = tpu.vector_load %arg7[%get3A_704] {strides = array<i32>} : memref<512xi32, #tpu.memory_space<vmem>>, vector<16xi32>,
    %get3A_706 = vector.shape_cast %get3A_705 : vector<16xi32> to vector<16xi32>
    %max3A_707 = arith.maxsi %get3A_706, %broadcast_in_dim3A_5 : vector<16xi32>
    %min3A_708 = arith.minsi %max3A_707, %broadcast_in_dim3A_3 : vector<16xi32>
    %get3A_709 = arith.constant 416 : index
    %get3A_710 = tpu.vector_load %arg8[%get3A_709] {strides = array<i32>} : memref<512xi32, #tpu.memory_space<vmem>>, vector<16xi32>,
    %get3A_711 = vector.shape_cast %get3A_710 : vector<16xi32> to vector<16xi32>
    %max3A_712 = arith.maxsi %get3A_711, %broadcast_in_dim3A_5 : vector<16xi32>
    %min3A_713 = arith.minsi %max3A_712, %broadcast_in_dim3A_3 : vector<16xi32>
    %get3A_714 = arith.constant 416 : index
    %get3A_715 = tpu.vector_load %arg9[%get3A_714] {strides = array<i32>} : memref<512xi32, #tpu.memory_space<vmem>>, vector<16xi32>,
    %get3A_716 = vector.shape_cast %get3A_715 : vector<16xi32> to vector<16xi32>
    %max3A_717 = arith.maxsi %get3A_716, %broadcast_in_dim3A_5 : vector<16xi32>
    %min3A_718 = arith.minsi %max3A_717, %broadcast_in_dim3A_3 : vector<16xi32>
    %mul3A_719 = arith.constant 10000 : i32
    %mul3A_720 = vector.broadcast %mul3A_719 : i32 to vector<16xi32>
    %mul3A_721 = arith.muli %min3A_708, %mul3A_720 : vector<16xi32>
    %mul3A_722 = arith.constant 100 : i32
    %mul3A_723 = vector.broadcast %mul3A_722 : i32 to vector<16xi32>
    %mul3A_724 = arith.muli %min3A_713, %mul3A_723 : vector<16xi32>
    %add3A_725 = arith.addi %mul3A_721, %mul3A_724 : vector<16xi32>
    %add3A_726 = arith.addi %add3A_725, %min3A_718 : vector<16xi32>
    %swap3A_727 = arith.constant 416 : index
    %swap3A_728 = tpu.vector_load %arg10[%swap3A_727] {strides = array<i32>} : memref<512xi32, #tpu.memory_space<vmem>>, vector<16xi32>,
    %swap3A_729 = vector.shape_cast %swap3A_728 : vector<16xi32> to vector<16xi32>
    %swap3A_730 = vector.shape_cast %add3A_726 : vector<16xi32> to vector<16xi32>
    tpu.vector_store %arg10[%swap3A_727], %swap3A_730 {strides = array<i32>} : memref<512xi32, #tpu.memory_space<vmem>>, vector<16xi32>,
    %get3A_731 = arith.constant 432 : index
    %get3A_732 = tpu.vector_load %arg7[%get3A_731] {strides = array<i32>} : memref<512xi32, #tpu.memory_space<vmem>>, vector<16xi32>,
    %get3A_733 = vector.shape_cast %get3A_732 : vector<16xi32> to vector<16xi32>
    %max3A_734 = arith.maxsi %get3A_733, %broadcast_in_dim3A_5 : vector<16xi32>
    %min3A_735 = arith.minsi %max3A_734, %broadcast_in_dim3A_3 : vector<16xi32>
    %get3A_736 = arith.constant 432 : index
    %get3A_737 = tpu.vector_load %arg8[%get3A_736] {strides = array<i32>} : memref<512xi32, #tpu.memory_space<vmem>>, vector<16xi32>,
    %get3A_738 = vector.shape_cast %get3A_737 : vector<16xi32> to vector<16xi32>
    %max3A_739 = arith.maxsi %get3A_738, %broadcast_in_dim3A_5 : vector<16xi32>
    %min3A_740 = arith.minsi %max3A_739, %broadcast_in_dim3A_3 : vector<16xi32>
    %get3A_741 = arith.constant 432 : index
    %get3A_742 = tpu.vector_load %arg9[%get3A_741] {strides = array<i32>} : memref<512xi32, #tpu.memory_space<vmem>>, vector<16xi32>,
    %get3A_743 = vector.shape_cast %get3A_742 : vector<16xi32> to vector<16xi32>
    %max3A_744 = arith.maxsi %get3A_743, %broadcast_in_dim3A_5 : vector<16xi32>
    %min3A_745 = arith.minsi %max3A_744, %broadcast_in_dim3A_3 : vector<16xi32>
    %mul3A_746 = arith.constant 10000 : i32
    %mul3A_747 = vector.broadcast %mul3A_746 : i32 to vector<16xi32>
    %mul3A_748 = arith.muli %min3A_735, %mul3A_747 : vector<16xi32>
    %mul3A_749 = arith.constant 100 : i32
    %mul3A_750 = vector.broadcast %mul3A_749 : i32 to vector<16xi32>
    %mul3A_751 = arith.muli %min3A_740, %mul3A_750 : vector<16xi32>
    %add3A_752 = arith.addi %mul3A_748, %mul3A_751 : vector<16xi32>
    %add3A_753 = arith.addi %add3A_752, %min3A_745 : vector<16xi32>
    %swap3A_754 = arith.constant 432 : index
    %swap3A_755 = tpu.vector_load %arg10[%swap3A_754] {strides = array<i32>} : memref<512xi32, #tpu.memory_space<vmem>>, vector<16xi32>,
    %swap3A_756 = vector.shape_cast %swap3A_755 : vector<16xi32> to vector<16xi32>
    %swap3A_757 = vector.shape_cast %add3A_753 : vector<16xi32> to vector<16xi32>
    tpu.vector_store %arg10[%swap3A_754], %swap3A_757 {strides = array<i32>} : memref<512xi32, #tpu.memory_space<vmem>>, vector<16xi32>,
    %get3A_758 = arith.constant 448 : index
    %get3A_759 = tpu.vector_load %arg7[%get3A_758] {strides = array<i32>} : memref<512xi32, #tpu.memory_space<vmem>>, vector<16xi32>,
    %get3A_760 = vector.shape_cast %get3A_759 : vector<16xi32> to vector<16xi32>
    %max3A_761 = arith.maxsi %get3A_760, %broadcast_in_dim3A_5 : vector<16xi32>
    %min3A_762 = arith.minsi %max3A_761, %broadcast_in_dim3A_3 : vector<16xi32>
    %get3A_763 = arith.constant 448 : index
    %get3A_764 = tpu.vector_load %arg8[%get3A_763] {strides = array<i32>} : memref<512xi32, #tpu.memory_space<vmem>>, vector<16xi32>,
    %get3A_765 = vector.shape_cast %get3A_764 : vector<16xi32> to vector<16xi32>
    %max3A_766 = arith.maxsi %get3A_765, %broadcast_in_dim3A_5 : vector<16xi32>
    %min3A_767 = arith.minsi %max3A_766, %broadcast_in_dim3A_3 : vector<16xi32>
    %get3A_768 = arith.constant 448 : index
    %get3A_769 = tpu.vector_load %arg9[%get3A_768] {strides = array<i32>} : memref<512xi32, #tpu.memory_space<vmem>>, vector<16xi32>,
    %get3A_770 = vector.shape_cast %get3A_769 : vector<16xi32> to vector<16xi32>
    %max3A_771 = arith.maxsi %get3A_770, %broadcast_in_dim3A_5 : vector<16xi32>
    %min3A_772 = arith.minsi %max3A_771, %broadcast_in_dim3A_3 : vector<16xi32>
    %mul3A_773 = arith.constant 10000 : i32
    %mul3A_774 = vector.broadcast %mul3A_773 : i32 to vector<16xi32>
    %mul3A_775 = arith.muli %min3A_762, %mul3A_774 : vector<16xi32>
    %mul3A_776 = arith.constant 100 : i32
    %mul3A_777 = vector.broadcast %mul3A_776 : i32 to vector<16xi32>
    %mul3A_778 = arith.muli %min3A_767, %mul3A_777 : vector<16xi32>
    %add3A_779 = arith.addi %mul3A_775, %mul3A_778 : vector<16xi32>
    %add3A_780 = arith.addi %add3A_779, %min3A_772 : vector<16xi32>
    %swap3A_781 = arith.constant 448 : index
    %swap3A_782 = tpu.vector_load %arg10[%swap3A_781] {strides = array<i32>} : memref<512xi32, #tpu.memory_space<vmem>>, vector<16xi32>,
    %swap3A_783 = vector.shape_cast %swap3A_782 : vector<16xi32> to vector<16xi32>
    %swap3A_784 = vector.shape_cast %add3A_780 : vector<16xi32> to vector<16xi32>
    tpu.vector_store %arg10[%swap3A_781], %swap3A_784 {strides = array<i32>} : memref<512xi32, #tpu.memory_space<vmem>>, vector<16xi32>,
    %get3A_785 = arith.constant 464 : index
    %get3A_786 = tpu.vector_load %arg7[%get3A_785] {strides = array<i32>} : memref<512xi32, #tpu.memory_space<vmem>>, vector<16xi32>,
    %get3A_787 = vector.shape_cast %get3A_786 : vector<16xi32> to vector<16xi32>
    %max3A_788 = arith.maxsi %get3A_787, %broadcast_in_dim3A_5 : vector<16xi32>
    %min3A_789 = arith.minsi %max3A_788, %broadcast_in_dim3A_3 : vector<16xi32>
    %get3A_790 = arith.constant 464 : index
    %get3A_791 = tpu.vector_load %arg8[%get3A_790] {strides = array<i32>} : memref<512xi32, #tpu.memory_space<vmem>>, vector<16xi32>,
    %get3A_792 = vector.shape_cast %get3A_791 : vector<16xi32> to vector<16xi32>
    %max3A_793 = arith.maxsi %get3A_792, %broadcast_in_dim3A_5 : vector<16xi32>
    %min3A_794 = arith.minsi %max3A_793, %broadcast_in_dim3A_3 : vector<16xi32>
    %get3A_795 = arith.constant 464 : index
    %get3A_796 = tpu.vector_load %arg9[%get3A_795] {strides = array<i32>} : memref<512xi32, #tpu.memory_space<vmem>>, vector<16xi32>,
    %get3A_797 = vector.shape_cast %get3A_796 : vector<16xi32> to vector<16xi32>
    %max3A_798 = arith.maxsi %get3A_797, %broadcast_in_dim3A_5 : vector<16xi32>
    %min3A_799 = arith.minsi %max3A_798, %broadcast_in_dim3A_3 : vector<16xi32>
    %mul3A_800 = arith.constant 10000 : i32
    %mul3A_801 = vector.broadcast %mul3A_800 : i32 to vector<16xi32>
    %mul3A_802 = arith.muli %min3A_789, %mul3A_801 : vector<16xi32>
    %mul3A_803 = arith.constant 100 : i32
    %mul3A_804 = vector.broadcast %mul3A_803 : i32 to vector<16xi32>
    %mul3A_805 = arith.muli %min3A_794, %mul3A_804 : vector<16xi32>
    %add3A_806 = arith.addi %mul3A_802, %mul3A_805 : vector<16xi32>
    %add3A_807 = arith.addi %add3A_806, %min3A_799 : vector<16xi32>
    %swap3A_808 = arith.constant 464 : index
    %swap3A_809 = tpu.vector_load %arg10[%swap3A_808] {strides = array<i32>} : memref<512xi32, #tpu.memory_space<vmem>>, vector<16xi32>,
    %swap3A_810 = vector.shape_cast %swap3A_809 : vector<16xi32> to vector<16xi32>
    %swap3A_811 = vector.shape_cast %add3A_807 : vector<16xi32> to vector<16xi32>
    tpu.vector_store %arg10[%swap3A_808], %swap3A_811 {strides = array<i32>} : memref<512xi32, #tpu.memory_space<vmem>>, vector<16xi32>,
    %get3A_812 = arith.constant 480 : index
    %get3A_813 = tpu.vector_load %arg7[%get3A_812] {strides = array<i32>} : memref<512xi32, #tpu.memory_space<vmem>>, vector<16xi32>,
    %get3A_814 = vector.shape_cast %get3A_813 : vector<16xi32> to vector<16xi32>
    %max3A_815 = arith.maxsi %get3A_814, %broadcast_in_dim3A_5 : vector<16xi32>
    %min3A_816 = arith.minsi %max3A_815, %broadcast_in_dim3A_3 : vector<16xi32>
    %get3A_817 = arith.constant 480 : index
    %get3A_818 = tpu.vector_load %arg8[%get3A_817] {strides = array<i32>} : memref<512xi32, #tpu.memory_space<vmem>>, vector<16xi32>,
    %get3A_819 = vector.shape_cast %get3A_818 : vector<16xi32> to vector<16xi32>
    %max3A_820 = arith.maxsi %get3A_819, %broadcast_in_dim3A_5 : vector<16xi32>
    %min3A_821 = arith.minsi %max3A_820, %broadcast_in_dim3A_3 : vector<16xi32>
    %get3A_822 = arith.constant 480 : index
    %get3A_823 = tpu.vector_load %arg9[%get3A_822] {strides = array<i32>} : memref<512xi32, #tpu.memory_space<vmem>>, vector<16xi32>,
    %get3A_824 = vector.shape_cast %get3A_823 : vector<16xi32> to vector<16xi32>
    %max3A_825 = arith.maxsi %get3A_824, %broadcast_in_dim3A_5 : vector<16xi32>
    %min3A_826 = arith.minsi %max3A_825, %broadcast_in_dim3A_3 : vector<16xi32>
    %mul3A_827 = arith.constant 10000 : i32
    %mul3A_828 = vector.broadcast %mul3A_827 : i32 to vector<16xi32>
    %mul3A_829 = arith.muli %min3A_816, %mul3A_828 : vector<16xi32>
    %mul3A_830 = arith.constant 100 : i32
    %mul3A_831 = vector.broadcast %mul3A_830 : i32 to vector<16xi32>
    %mul3A_832 = arith.muli %min3A_821, %mul3A_831 : vector<16xi32>
    %add3A_833 = arith.addi %mul3A_829, %mul3A_832 : vector<16xi32>
    %add3A_834 = arith.addi %add3A_833, %min3A_826 : vector<16xi32>
    %swap3A_835 = arith.constant 480 : index
    %swap3A_836 = tpu.vector_load %arg10[%swap3A_835] {strides = array<i32>} : memref<512xi32, #tpu.memory_space<vmem>>, vector<16xi32>,
    %swap3A_837 = vector.shape_cast %swap3A_836 : vector<16xi32> to vector<16xi32>
    %swap3A_838 = vector.shape_cast %add3A_834 : vector<16xi32> to vector<16xi32>
    tpu.vector_store %arg10[%swap3A_835], %swap3A_838 {strides = array<i32>} : memref<512xi32, #tpu.memory_space<vmem>>, vector<16xi32>,
    %get3A_839 = arith.constant 496 : index
    %get3A_840 = tpu.vector_load %arg7[%get3A_839] {strides = array<i32>} : memref<512xi32, #tpu.memory_space<vmem>>, vector<16xi32>,
    %get3A_841 = vector.shape_cast %get3A_840 : vector<16xi32> to vector<16xi32>
    %max3A_842 = arith.maxsi %get3A_841, %broadcast_in_dim3A_5 : vector<16xi32>
    %min3A_843 = arith.minsi %max3A_842, %broadcast_in_dim3A_3 : vector<16xi32>
    %get3A_844 = arith.constant 496 : index
    %get3A_845 = tpu.vector_load %arg8[%get3A_844] {strides = array<i32>} : memref<512xi32, #tpu.memory_space<vmem>>, vector<16xi32>,
    %get3A_846 = vector.shape_cast %get3A_845 : vector<16xi32> to vector<16xi32>
    %max3A_847 = arith.maxsi %get3A_846, %broadcast_in_dim3A_5 : vector<16xi32>
    %min3A_848 = arith.minsi %max3A_847, %broadcast_in_dim3A_3 : vector<16xi32>
    %get3A_849 = arith.constant 496 : index
    %get3A_850 = tpu.vector_load %arg9[%get3A_849] {strides = array<i32>} : memref<512xi32, #tpu.memory_space<vmem>>, vector<16xi32>,
    %get3A_851 = vector.shape_cast %get3A_850 : vector<16xi32> to vector<16xi32>
    %max3A_852 = arith.maxsi %get3A_851, %broadcast_in_dim3A_5 : vector<16xi32>
    %min3A_853 = arith.minsi %max3A_852, %broadcast_in_dim3A_3 : vector<16xi32>
    %mul3A_854 = arith.constant 10000 : i32
    %mul3A_855 = vector.broadcast %mul3A_854 : i32 to vector<16xi32>
    %mul3A_856 = arith.muli %min3A_843, %mul3A_855 : vector<16xi32>
    %mul3A_857 = arith.constant 100 : i32
    %mul3A_858 = vector.broadcast %mul3A_857 : i32 to vector<16xi32>
    %mul3A_859 = arith.muli %min3A_848, %mul3A_858 : vector<16xi32>
    %add3A_860 = arith.addi %mul3A_856, %mul3A_859 : vector<16xi32>
    %add3A_861 = arith.addi %add3A_860, %min3A_853 : vector<16xi32>
    %swap3A_862 = arith.constant 496 : index
    %swap3A_863 = tpu.vector_load %arg10[%swap3A_862] {strides = array<i32>} : memref<512xi32, #tpu.memory_space<vmem>>, vector<16xi32>,
    %swap3A_864 = vector.shape_cast %swap3A_863 : vector<16xi32> to vector<16xi32>
    %swap3A_865 = vector.shape_cast %add3A_861 : vector<16xi32> to vector<16xi32>
    tpu.vector_store %arg10[%swap3A_862], %swap3A_865 {strides = array<i32>} : memref<512xi32, #tpu.memory_space<vmem>>, vector<16xi32>,
    %dma_start3A = arith.constant 0 : i32
    %dma_start3A_866 = arith.constant 0 : i32
    %dma_start3A_867 = tpu.memref_slice %arg11[%dma_start3A, %dma_start3A_866] : memref<512x16xf32, #tpu.memory_space<vmem>> -> memref<128x16xf32, #tpu.memory_space<vmem>>
    %dma_start3A_868 = arith.constant 0 : i32
    %dma_start3A_869 = tpu.memref_slice %arg10[%dma_start3A_868] : memref<512xi32, #tpu.memory_space<vmem>> -> memref<128xi32, #tpu.memory_space<vmem>>
    %dma_start3A_870 = arith.constant 0 : i32
    %dma_start3A_871 = arith.constant 0 : i32
    %dma_start3A_872 = tpu.memref_slice %arg5[%dma_start3A_870, %dma_start3A_871] : memref<1000000x16xf32, #tpu.memory_space<hbm>> -> memref<1000000x16xf32, #tpu.memory_space<hbm>>
    tpu.enqueue_indirect_dma source(%dma_start3A_872 : memref<1000000x16xf32, #tpu.memory_space<hbm>>) target(%dma_start3A_867 : memref<128x16xf32, #tpu.memory_space<vmem>>) offsets(%dma_start3A_869 : memref<128xi32, #tpu.memory_space<vmem>>) semaphore(%arg12 : memref<!tpu.dma_semaphore, #tpu.memory_space<semaphore_mem>>)
    %dma_start3A_873 = arith.constant 128 : i32
    %dma_start3A_874 = arith.constant 0 : i32
    %dma_start3A_875 = tpu.memref_slice %arg11[%dma_start3A_873, %dma_start3A_874] : memref<512x16xf32, #tpu.memory_space<vmem>> -> memref<128x16xf32, #tpu.memory_space<vmem>>
    %dma_start3A_876 = arith.constant 128 : i32
    %dma_start3A_877 = tpu.memref_slice %arg10[%dma_start3A_876] : memref<512xi32, #tpu.memory_space<vmem>> -> memref<128xi32, #tpu.memory_space<vmem>>
    %dma_start3A_878 = arith.constant 0 : i32
    %dma_start3A_879 = arith.constant 0 : i32
    %dma_start3A_880 = tpu.memref_slice %arg5[%dma_start3A_878, %dma_start3A_879] : memref<1000000x16xf32, #tpu.memory_space<hbm>> -> memref<1000000x16xf32, #tpu.memory_space<hbm>>
    tpu.enqueue_indirect_dma source(%dma_start3A_880 : memref<1000000x16xf32, #tpu.memory_space<hbm>>) target(%dma_start3A_875 : memref<128x16xf32, #tpu.memory_space<vmem>>) offsets(%dma_start3A_877 : memref<128xi32, #tpu.memory_space<vmem>>) semaphore(%arg12 : memref<!tpu.dma_semaphore, #tpu.memory_space<semaphore_mem>>)
    %dma_start3A_881 = arith.constant 256 : i32
    %dma_start3A_882 = arith.constant 0 : i32
    %dma_start3A_883 = tpu.memref_slice %arg11[%dma_start3A_881, %dma_start3A_882] : memref<512x16xf32, #tpu.memory_space<vmem>> -> memref<128x16xf32, #tpu.memory_space<vmem>>
    %dma_start3A_884 = arith.constant 256 : i32
    %dma_start3A_885 = tpu.memref_slice %arg10[%dma_start3A_884] : memref<512xi32, #tpu.memory_space<vmem>> -> memref<128xi32, #tpu.memory_space<vmem>>
    %dma_start3A_886 = arith.constant 0 : i32
    %dma_start3A_887 = arith.constant 0 : i32
    %dma_start3A_888 = tpu.memref_slice %arg5[%dma_start3A_886, %dma_start3A_887] : memref<1000000x16xf32, #tpu.memory_space<hbm>> -> memref<1000000x16xf32, #tpu.memory_space<hbm>>
    tpu.enqueue_indirect_dma source(%dma_start3A_888 : memref<1000000x16xf32, #tpu.memory_space<hbm>>) target(%dma_start3A_883 : memref<128x16xf32, #tpu.memory_space<vmem>>) offsets(%dma_start3A_885 : memref<128xi32, #tpu.memory_space<vmem>>) semaphore(%arg12 : memref<!tpu.dma_semaphore, #tpu.memory_space<semaphore_mem>>)
    %dma_start3A_889 = arith.constant 384 : i32
    %dma_start3A_890 = arith.constant 0 : i32
    %dma_start3A_891 = tpu.memref_slice %arg11[%dma_start3A_889, %dma_start3A_890] : memref<512x16xf32, #tpu.memory_space<vmem>> -> memref<128x16xf32, #tpu.memory_space<vmem>>
    %dma_start3A_892 = arith.constant 384 : i32
    %dma_start3A_893 = tpu.memref_slice %arg10[%dma_start3A_892] : memref<512xi32, #tpu.memory_space<vmem>> -> memref<128xi32, #tpu.memory_space<vmem>>
    %dma_start3A_894 = arith.constant 0 : i32
    %dma_start3A_895 = arith.constant 0 : i32
    %dma_start3A_896 = tpu.memref_slice %arg5[%dma_start3A_894, %dma_start3A_895] : memref<1000000x16xf32, #tpu.memory_space<hbm>> -> memref<1000000x16xf32, #tpu.memory_space<hbm>>
    tpu.enqueue_indirect_dma source(%dma_start3A_896 : memref<1000000x16xf32, #tpu.memory_space<hbm>>) target(%dma_start3A_891 : memref<128x16xf32, #tpu.memory_space<vmem>>) offsets(%dma_start3A_893 : memref<128xi32, #tpu.memory_space<vmem>>) semaphore(%arg12 : memref<!tpu.dma_semaphore, #tpu.memory_space<semaphore_mem>>)
    %dma_wait3A = arith.constant 0 : i32
    %dma_wait3A_897 = arith.constant 0 : i32
    %dma_wait3A_898 = tpu.memref_slice %arg11[%dma_wait3A, %dma_wait3A_897] : memref<512x16xf32, #tpu.memory_space<vmem>> -> memref<128x16xf32, #tpu.memory_space<vmem>>
    %dma_wait3A_899 = arith.constant 0 : i32
    %dma_wait3A_900 = tpu.memref_slice %arg10[%dma_wait3A_899] : memref<512xi32, #tpu.memory_space<vmem>> -> memref<128xi32, #tpu.memory_space<vmem>>
    %dma_wait3A_901 = arith.constant 0 : i32
    %dma_wait3A_902 = arith.constant 0 : i32
    %dma_wait3A_903 = tpu.memref_slice %arg5[%dma_wait3A_901, %dma_wait3A_902] : memref<1000000x16xf32, #tpu.memory_space<hbm>> -> memref<1000000x16xf32, #tpu.memory_space<hbm>>
    tpu.wait_indirect_dma semaphore(%arg12 : memref<!tpu.dma_semaphore, #tpu.memory_space<semaphore_mem>>) src(%dma_wait3A_903 : memref<1000000x16xf32, #tpu.memory_space<hbm>>) dst(%dma_wait3A_898 : memref<128x16xf32, #tpu.memory_space<vmem>>)
    %dma_wait3A_904 = arith.constant 128 : i32
    %dma_wait3A_905 = arith.constant 0 : i32
    %dma_wait3A_906 = tpu.memref_slice %arg11[%dma_wait3A_904, %dma_wait3A_905] : memref<512x16xf32, #tpu.memory_space<vmem>> -> memref<128x16xf32, #tpu.memory_space<vmem>>
    %dma_wait3A_907 = arith.constant 128 : i32
    %dma_wait3A_908 = tpu.memref_slice %arg10[%dma_wait3A_907] : memref<512xi32, #tpu.memory_space<vmem>> -> memref<128xi32, #tpu.memory_space<vmem>>
    %dma_wait3A_909 = arith.constant 0 : i32
    %dma_wait3A_910 = arith.constant 0 : i32
    %dma_wait3A_911 = tpu.memref_slice %arg5[%dma_wait3A_909, %dma_wait3A_910] : memref<1000000x16xf32, #tpu.memory_space<hbm>> -> memref<1000000x16xf32, #tpu.memory_space<hbm>>
    tpu.wait_indirect_dma semaphore(%arg12 : memref<!tpu.dma_semaphore, #tpu.memory_space<semaphore_mem>>) src(%dma_wait3A_911 : memref<1000000x16xf32, #tpu.memory_space<hbm>>) dst(%dma_wait3A_906 : memref<128x16xf32, #tpu.memory_space<vmem>>)
    %dma_wait3A_912 = arith.constant 256 : i32
    %dma_wait3A_913 = arith.constant 0 : i32
    %dma_wait3A_914 = tpu.memref_slice %arg11[%dma_wait3A_912, %dma_wait3A_913] : memref<512x16xf32, #tpu.memory_space<vmem>> -> memref<128x16xf32, #tpu.memory_space<vmem>>
    %dma_wait3A_915 = arith.constant 256 : i32
    %dma_wait3A_916 = tpu.memref_slice %arg10[%dma_wait3A_915] : memref<512xi32, #tpu.memory_space<vmem>> -> memref<128xi32, #tpu.memory_space<vmem>>
    %dma_wait3A_917 = arith.constant 0 : i32
    %dma_wait3A_918 = arith.constant 0 : i32
    %dma_wait3A_919 = tpu.memref_slice %arg5[%dma_wait3A_917, %dma_wait3A_918] : memref<1000000x16xf32, #tpu.memory_space<hbm>> -> memref<1000000x16xf32, #tpu.memory_space<hbm>>
    tpu.wait_indirect_dma semaphore(%arg12 : memref<!tpu.dma_semaphore, #tpu.memory_space<semaphore_mem>>) src(%dma_wait3A_919 : memref<1000000x16xf32, #tpu.memory_space<hbm>>) dst(%dma_wait3A_914 : memref<128x16xf32, #tpu.memory_space<vmem>>)
    %dma_wait3A_920 = arith.constant 384 : i32
    %dma_wait3A_921 = arith.constant 0 : i32
    %dma_wait3A_922 = tpu.memref_slice %arg11[%dma_wait3A_920, %dma_wait3A_921] : memref<512x16xf32, #tpu.memory_space<vmem>> -> memref<128x16xf32, #tpu.memory_space<vmem>>
    %dma_wait3A_923 = arith.constant 384 : i32
    %dma_wait3A_924 = tpu.memref_slice %arg10[%dma_wait3A_923] : memref<512xi32, #tpu.memory_space<vmem>> -> memref<128xi32, #tpu.memory_space<vmem>>
    %dma_wait3A_925 = arith.constant 0 : i32
    %dma_wait3A_926 = arith.constant 0 : i32
    %dma_wait3A_927 = tpu.memref_slice %arg5[%dma_wait3A_925, %dma_wait3A_926] : memref<1000000x16xf32, #tpu.memory_space<hbm>> -> memref<1000000x16xf32, #tpu.memory_space<hbm>>
    tpu.wait_indirect_dma semaphore(%arg12 : memref<!tpu.dma_semaphore, #tpu.memory_space<semaphore_mem>>) src(%dma_wait3A_927 : memref<1000000x16xf32, #tpu.memory_space<hbm>>) dst(%dma_wait3A_922 : memref<128x16xf32, #tpu.memory_space<vmem>>)
    "tpu.region"() ({
      %run_scoped3A = tpu.sem_alloc : memref<!tpu.dma_semaphore, #tpu.memory_space<semaphore_mem>>
      %dma_start3A_928 = arith.constant 0 : i32
      %dma_start3A_929 = tpu.memref_slice %arg6[%mul3A_2, %dma_start3A_928] : memref<16384x16xf32, #tpu.memory_space<hbm>> -> memref<512x16xf32, #tpu.memory_space<hbm>>
      %dma_start3A_930 = arith.constant 0 : i32
      %dma_start3A_931 = tpu.memref_slice %arg6[%mul3A_2, %dma_start3A_930] : memref<16384x16xf32, #tpu.memory_space<hbm>> -> memref<512x16xf32, #tpu.memory_space<hbm>>
      tpu.enqueue_dma source(%arg11 : memref<512x16xf32, #tpu.memory_space<vmem>>) target(%dma_start3A_931 : memref<512x16xf32, #tpu.memory_space<hbm>>) target_semaphore(%run_scoped3A : memref<!tpu.dma_semaphore, #tpu.memory_space<semaphore_mem>>)
      %dma_wait3A_932 = arith.constant 0 : i32
      %dma_wait3A_933 = tpu.memref_slice %arg6[%mul3A_2, %dma_wait3A_932] : memref<16384x16xf32, #tpu.memory_space<hbm>> -> memref<512x16xf32, #tpu.memory_space<hbm>>
      %dma_wait3A_934 = arith.constant 0 : i32
      %dma_wait3A_935 = tpu.memref_slice %arg6[%mul3A_2, %dma_wait3A_934] : memref<16384x16xf32, #tpu.memory_space<hbm>> -> memref<512x16xf32, #tpu.memory_space<hbm>>
      tpu.wait_dma2 semaphore(%run_scoped3A : memref<!tpu.dma_semaphore, #tpu.memory_space<semaphore_mem>>) src(%arg11 : memref<512x16xf32, #tpu.memory_space<vmem>>) dst(%dma_wait3A_935 : memref<512x16xf32, #tpu.memory_space<hbm>>)
      tpu.yield
    }) : () -> ()
    return
  }
}

</mosaic_0001>

<sc_bundles>
// kernel: kernel.3.cloned.1.call-start
scs
__scs_entry_jumppad:
0x0: {  	(pc) =	sbr.rel $0x88, $3  }
0x1: {  	(tag) =	ssettag $0x0;
	lr =	simm.s32 $0x1  }
0x2: {  	[smem:$0x3F9F] =	sst lr;
	_ =	strace $0xD0000000  }
0x3: {  	_ = 	snop  }
0x4: {  	_ = 	snop  }
0x5: {  	_ = 	snop  }
0x6: {  	_ = 	snop  }
0x7: {  	_ = 	snop  }
__scs_overlays_trampoline_lowered:
0x8: {  	[smem:$0x3FAE] =	sst s0  }
0x9: {  	[smem:$0x3FAF] =	sst s1  }
0xa: {  	[smem:$0x3FB0] =	sst s2  }
0xb: {  	[smem:$0x3FB1] =	sst s3  }
0xc: {  	[smem:$0x3FB2] =	sst s4  }
0xd: {  	[smem:$0x3FB3] =	sst s5  }
0xe: {  	[smem:$0x3FB4] =	sst s6  }
0xf: {  	[smem:$0x3FB5] =	sst s7  }
0x10: {  	[smem:$0x3FB6] =	sst s8  }
0x11: {  	[smem:$0x3FB7] =	sst s9;
	s0 =	simm.s32 @!p0 $0x0  }
0x12: {  	s1 =	sld [smem:$0x3F9D];
	s0 =	simm.s32 @p0 $0x1  }
0x13: {  	[smem:$0x3FB8] =	sst s0;
	s0 =	simm.s32 @!p1 $0x0  }
0x14: {  	s2 =	sld [smem:$0x3F9C];
	s0 =	simm.s32 @p1 $0x1  }
0x15: {  	[smem:$0x3FB9] =	sst s0;
	s0 =	simm.s32 @!p2 $0x0  }
0x16: {  	s3 =	sld [smem:$0x3FDB];
	s0 =	simm.s32 @p2 $0x1  }
0x17: {  	s4 =	simm.s32 $0x1BF5;
	[smem:$0x3FBB] =	sst s0  }
0x18: {  	s0 =	sld [smem:$0x3F9E];
	_ =	swait.ge [sflag:s4], $0x0  }
0x19: {  	s7 =	sld [smem:$0x3F9F]  }
0x1a: {  	s8 =	sadd.s32 $0xFFFFE003, lr  }
0x1b: {  	s9 =	sadd.s32 $0xFFFFFEF7, lr;
	s5 =	simm.s32 $0xFFFFFFFF;
	p2 =	slt.u32 s8, $0xFFFFF086  }
0x1c: {  	p1 =	slt.u32 s9, $0xF7A;
	s5 =	simm.s32 @!p2 $0x0  }
0x1d: {  	s5 =	simm.s32 @p1 $0x1;
	p0 =	seq.s32 s7, s2  }
0x1e: {  	s7 =	smul.u32 @!p0 $0xF7A, s2;
	p2 =	seq.s32 @!p0 s5, $0x0  }
0x1f: {  	s9 =	smul.u32 $0xF7A, s1;
	s8 =	simm.s32 @!p0 $0x1BF5;
	p2 =	por !p2, p0  }
0x20: {  	[sflag:s8] =	ssyncset.s32 @!p0 $0xFFFFF086;
	s6 =	sadd.s32 @!p0 s3, s7;
	s7 =	simm.s32 @!p0 $0x108  }
0x21: {  	s3 =	sadd.s32 s3, s9;
	s6 =	sadd.s32 @!p0 $0x88, s6;
	s7 =	simm.s32 @p2 $0x1082  }
0x22: {  	[simem:s7], [sflag:s8] =	dma.local @!p0 [hbm:s6], $0xF7A  }
0x23: {  	s9 =	sor.u32 $0xD0000000, s2;
	s6 =	simm.s32 $0x108;
	_ =	swait.ge @!p0 [sflag:s8], $0x0  }
0x24: {  	s3 =	sadd.s32 $0x88, s3;
	s6 =	simm.s32 @!p1 $0x1082;
	[sflag:s4] =	ssyncset.s32 $0xFFFFF086  }
0x25: {  	[simem:s6], [sflag:s4] =	dma.local [hbm:s3], $0xF7A  }
0x26: {  	[smem:$0x3F9F] =	sst s1;
	(tag) =	ssettag s2;
	_ =	strace s9  }
0x27: {  	s1 =	sld [smem:$0x3FAF]  }
0x28: {  	s2 =	sld [smem:$0x3FB0]  }
0x29: {  	s4 =	sld [smem:$0x3FB2]  }
0x2a: {  	p0 =	seq.s32 s5, $0x0;
	s5 =	sld [smem:$0x3FB3]  }
0x2b: {  	s6 =	sld [smem:$0x3FB4]  }
0x2c: {  	s7 =	sld [smem:$0x3FB5]  }
0x2d: {  	s3 =	simm.s32 $0x108;
	s8 =	sld [smem:$0x3FB6]  }
0x2e: {  	s3 =	simm.s32 @!p0 $0x1082;
	s9 =	sld [smem:$0x3FB7]  }
0x2f: {  	lr =	sadd.s32 s0, s3;
	s0 =	sld [smem:$0x3FAE]  }
0x30: {  	s3 =	sld [smem:$0x3FB1]  }
0x31: {  	[smem:$0x3FBA] =	sst s10  }
0x32: {  	s10 =	sld [smem:$0x3FB8];
	_ =	sdelay $0x3  }
0x33: {  	p0 =	seq.s32 s10, $0x1;
	s10 =	sld [smem:$0x3FBA];
	_ =	sdelay $0x3  }
0x34: {  	[smem:$0x3FBA] =	sst s10  }
0x35: {  	s10 =	sld [smem:$0x3FB9];
	_ =	sdelay $0x3  }
0x36: {  	p1 =	seq.s32 s10, $0x1;
	s10 =	sld [smem:$0x3FBA];
	_ =	sdelay $0x3  }
0x37: {  	[smem:$0x3FBA] =	sst s10  }
0x38: {  	s10 =	sld [smem:$0x3FBB]  }
0x39: {  	_ = 	snop;
	(pc) =	sbr.ind lr, $3  }
0x3a: {  	_ = 	snop  }
0x3b: {  	_ = 	snop  }
0x3c: {  	p2 =	seq.s32 s10, $0x1;
	s10 =	sld [smem:$0x3FBA]  }
0x3d: {  	_ =	shalt  }
0x3e: {  	_ =	shalt  }
0x3f: {  	_ =	shalt  }
0x40: {  	_ =	shalt  }
0x41: {  	_ =	shalt  }
0x42: {  	_ =	shalt  }
0x43: {  	_ =	shalt  }
0x44: {  	_ =	shalt  }
0x45: {  	_ =	shalt  }
0x46: {  	_ =	shalt  }
0x47: {  	_ =	shalt  }
0x48: {  	_ =	shalt  }
0x49: {  	_ =	shalt  }
0x4a: {  	_ =	shalt  }
0x4b: {  	_ =	shalt  }
0x4c: {  	_ =	shalt  }
0x4d: {  	_ =	shalt  }
0x4e: {  	_ =	shalt  }
0x4f: {  	_ =	shalt  }
0x50: {  	_ =	shalt  }
0x51: {  	_ =	shalt  }
0x52: {  	_ =	shalt  }
0x53: {  	_ =	shalt  }
0x54: {  	_ =	shalt  }
0x55: {  	_ =	shalt  }
0x56: {  	_ =	shalt  }
0x57: {  	_ =	shalt  }
0x58: {  	_ =	shalt  }
0x59: {  	_ =	shalt  }
0x5a: {  	_ =	shalt  }
0x5b: {  	_ =	shalt  }
0x5c: {  	_ =	shalt  }
0x5d: {  	_ =	shalt  }
0x5e: {  	_ =	shalt  }
0x5f: {  	_ =	shalt  }
0x60: {  	_ =	shalt  }
0x61: {  	_ =	shalt  }
0x62: {  	_ =	shalt  }
0x63: {  	_ =	shalt  }
0x64: {  	_ =	shalt  }
0x65: {  	_ =	shalt  }
0x66: {  	_ =	shalt  }
0x67: {  	_ =	shalt  }
0x68: {  	_ =	shalt  }
0x69: {  	_ =	shalt  }
0x6a: {  	_ =	shalt  }
0x6b: {  	_ =	shalt  }
0x6c: {  	_ =	shalt  }
0x6d: {  	_ =	shalt  }
0x6e: {  	_ =	shalt  }
0x6f: {  	_ =	shalt  }
0x70: {  	_ =	shalt  }
0x71: {  	_ =	shalt  }
0x72: {  	_ =	shalt  }
0x73: {  	_ =	shalt  }
0x74: {  	_ =	shalt  }
0x75: {  	_ =	shalt  }
0x76: {  	_ =	shalt  }
0x77: {  	_ =	shalt  }
0x78: {  	_ =	shalt  }
0x79: {  	_ =	shalt  }
0x7a: {  	_ =	shalt  }
0x7b: {  	_ =	shalt  }
0x7c: {  	_ =	shalt  }
0x7d: {  	_ =	shalt  }
0x7e: {  	_ =	shalt  }
0x7f: {  	_ =	shalt  }
0x80: {  	_ =	shalt  }
0x81: {  	_ =	shalt  }
0x82: {  	_ =	shalt  }
0x83: {  	_ =	shalt  }
0x84: {  	_ =	shalt  }
0x85: {  	_ =	shalt  }
0x86: {  	_ =	shalt  }
0x87: {  	_ =	shalt  }
.Lfunc_end0:
.L_simem_size_0:
called_computation_lowered:
.L_overlay_start_0:
0x88: {  	s2 =	sld [smem:$0x3FD9]  }
0x89: {  	s3 =	sld [smem:$0x3FFE];
	_ =	sdelay $0x1  }
0x8a: {  	s1 =	srdreg.scid  }
0x8b: {  	s0 =	sand.u32 $0x1, s1  }
0x8c: {  	s17 =	sshll.u32 s0, $0xA;
	s2 =	sadd.s32 s3, s2  }
0x8d: {  	s2 =	sadd.s32 s2, s17  }
0x8e: {  	[smem:$0x3FC6] =	sst s2  }
0x8f: {  	_ = 	snop  }
0x90: {  	s2 =	sld [smem:$0x3FD0];
	(tm) =	ssettm $0x1  }
0x91: {  	s18 =	sld [smem:$0x3FFB];
	_ =	sdelay $0x3  }
0x92: {  	_ =	strace s18  }
0x93: {  	s3 =	sld [smem:$0x3FFC];
	_ =	sdelay $0x3  }
0x94: {  	_ =	strace s3  }
0x95: {  	s3 =	sld [smem:$0x3FFD];
	_ =	sdelay $0x3  }
0x96: {  	_ =	strace s3  }
0x97: {  	_ =	strace $0x8FFFFFFF  }
0x98: {  	s19 =	sld [smem:$0x3FDB];
	_ =	sdelay $0x1  }
0x99: {  	s4 =	simm.s32 $_scs_section_size  }
0x9a: {  	s5 =	simm.s32 $_size__tile_overlayer_lowered;
	s6 =	simm.s32 $_tile_overlayer_lowered  }
0x9b: {  	s22 =	simm.s32 $0x1BFF;
	s21 =	sshll.u32 s6, $0x1;
	s3 =	sadd.s32 s4, s19  }
0x9c: {  	s7 =	simm.s32 $0x0;
	s20 =	sshll.u32 s5, $0x1;
	s5 =	sadd.s32 s21, s3  }
0x9d: {  	[timem:s7], [sflag:s22] =	dma.local [hbm:s5], s20  }
0x9e: {  	_ =	swait.ge [sflag:s22], s20  }
0x9f: {  	s4 =	ssub.s32 $0x0, s20;
	[sflag:s22] =	ssyncset.done $0x0  }
0xa0: {  	[sflag:s22] =	ssyncadd.s32 s4;
	_ =	sdelay $0x1  }
0xa1: {  	s23 =	simm.s32 $0x1B8B  }
0xa2: {  	_ =	swait.ge [sflag:s23], $0x1  }
0xa3: {  	[sflag:s23] =	ssyncset.done $0x0  }
0xa4: {  	s25 =	simm.s32 $0x1B8E;
	s24 =	sld [smem:$0x3FFE];
	[sflag:s23] =	ssyncadd.s32 $0xFFFFFFFF  }
0xa5: {  	s26 =	simm.s32 $execute0_lowered;
	[smem:$0x3FD2] =	sst s25  }
0xa6: {  	s5 =	sshll.u32 s26, $0x1;
	_ =	strace $0x80000046;
	[dreg:$0x1] =	wrdreg $0xFFFFFFFF  }
0xa7: {  	s28 =	simm.s32 $_size_execute0_lowered;
	s3 =	sadd.s32 s3, s5;
	[dreg:$0x0] =	wrdreg $0x0  }
0xa8: {  	s5 =	sshll.u32 s28, $0x1;
	[dreg:$0x2] =	wrdreg s3  }
0xa9: {  	[dreg:$0x3] =	wrdreg s5  }
0xaa: {  	[dreg:$0x4] =	wrdreg $0xC0  }
0xab: {  	_ =	task [dreg:s7], $0x5FFFF  }
0xac: {  	[dreg:$0x1] =	wrdreg $0xFFFFFFFF  }
0xad: {  	[dreg:$0x0] =	wrdreg $0x60  }
0xae: {  	[dreg:$0x2] =	wrdreg s24  }
0xaf: {  	[dreg:$0x3] =	wrdreg s2  }
0xb0: {  	[dreg:$0x4] =	wrdreg $0x9  }
0xb1: {  	_ =	task.clear_ibuf [dreg:s7], $0x5FFFF;
	_ =	strace $0x90000046  }
0xb2: {  	s29 =	simm.s32 $0x9;
	_ =	strace $0x80000048  }
0xb3: {  	_ =	swait.ge [sflag:s29], $0x1  }
0xb4: {  	[sflag:s29] =	ssyncadd.s32 $0xFFFFFFFF  }
0xb5: {  	_ =	strace $0x90000048  }
0xb6: {  	_ =	sfence  }
0xb7: {  	s30 =	sld [smem:$0x0];
	_ =	sdelay $0x2  }
0xb8: {  	s31 =	sshll.u32 s1, $0xD;
	s1 =	sshrl.u32 s1, $0x2  }
0xb9: {  	s3 =	sand.u32 $0x4000, s31;
	s1 =	sadd.s32 s1, s30  }
0xba: {  	s0 =	sor.u32 s3, s0;
	s1 =	sshll.u32 s1, $0x11  }
0xbb: {  	s0 =	sor.u32 s1, s0  }
0xbc: {  	s0 =	sadd.s32 $0x8F2B, s0  }
0xbd: {  	[sflag:s0] =	ssyncadd.remote.s32 $0x1  }
0xbe: {  	_ =	sfence.sel $0xFFFF  }
0xbf: {  	[dreg:$0x0] =	wrdreg $0xFFFFFFFF;
	(pc) =	sbr.abs _section_cstart, $3  }
0xc0: {  	[dreg:$0x1] =	wrdreg $0xFFFFFFFF  }
0xc1: {  	_ =	task.clear_ibuf [dreg:s7], $0x2FFFF;
	_ =	strace $0x9FFFFFFF  }
0xc2: {  	(tm) =	ssettm $0x7FFFFFFF  }
0xc3: {  	_ =	shalt  }
tec
execute0_lowered:
.L_overlay_start_1:
0x0: {  	(tag) =	ssettag $0x1  }
0x1: {  	s1 =	srdreg.scid;
	s3 =	rddreg [dreg:$0x0]  }
0x2: {  	s0 =	stileid.u32;
	s7 =	rddreg [dreg:$0x1]  }
0x3: {  	s2 =	simm.s32 $0x0;
	s10 =	simm.s32 $0x200;
	s11 =	simm.s32 $0x400  }
0x4: {  	s12 =	simm.s32 $0x80;
	s13 =	simm.s32 $0x600;
	s14 =	simm.s32 $0x800  }
0x5: {  	s15 =	simm.s32 $0x680;
	s16 =	simm.s32 $0x1000;
	s17 =	simm.s32 $0x700  }
0x6: {  	s18 =	simm.s32 $0x1800;
	s19 =	simm.s32 $0x780;
	s20 =	simm.s32 $0x2000  }
0x7: {  	s21 =	simm.s32 $0x1;
	s4 =	sand.u32 $0x1, s1;
	s5 =	sshll.u32 s0, $0xA  }
0x8: {  	s1 =	rddreg [dreg:$0x2];
	s6 =	sshll.u32 s4, $0x9;
	s4 =	ssub.s32 $0x2, s4  }
0x9: {  	[smem:$0x7FF] =	sst s2;
	s8 =	sor.u32 s6, s5;
	s31 =	sshrl.u32 s4, $0x1  }
0xa: {  	_ =	strace $0x80000047;
	s5 =	sshrl.u32 s8, $0x3;
	s9 =	ssub.s32 s4, s31  }
0xb: {  	s8 =	sshll.u32 s8, $0x1;
	s30 =	sadd.s32 s5, s3;
	s3 =	sadd.s32 $0xF44200, s3  }
0xc: {  	s7 =	sadd.s32 s7, s8;
	s8 =	smax.u32 s9, $0x1;
	s9 =	simm.s32 $0x2  }
0xd: {  	s4 =	sadd.s32 $0x1600, s30;
	s5 =	sadd.s32 $0xE00, s30;
	s6 =	sadd.s32 $0x600, s30  }
.LBB2_1:
0xe: {  	[tilespmem:s2], [sflag:$0x2] =	stream.linear.gather [hbm4b:s4+s2], $0x200, $0x38;
	[tilespmem:$0x2800] =	vst v63  }
0xf: {  	_ =	swait.ge [sflag:s9], $0x200  }
0x10: {  	[sflag:s9] =	ssyncset.done $0x0  }
0x11: {  	[sflag:s9] =	ssyncadd.s32 $0xFFFFFE00  }
0x12: {  	[tilespmem:s10], [sflag:$0x2] =	stream.linear.gather [hbm4b:s5+s2], $0x200, $0x38;
	[tilespmem:$0x2800] =	vst v63  }
0x13: {  	_ =	swait.ge [sflag:s9], $0x200  }
0x14: {  	[sflag:s9] =	ssyncset.done $0x0  }
0x15: {  	[sflag:s9] =	ssyncadd.s32 $0xFFFFFE00  }
0x16: {  	[tilespmem:s11], [sflag:$0x2] =	stream.linear.gather [hbm4b:s6+s2], $0x200, $0x38;
	[tilespmem:$0x2800] =	vst v63  }
0x17: {  	_ =	swait.ge [sflag:s9], $0x200  }
0x18: {  	[sflag:s9] =	ssyncset.done $0x0  }
0x19: {  	[sflag:s9] =	ssyncadd.s32 $0xFFFFFE00  }
0x1a: {  	v0 =	vld [tilespmem:$0x0]  }
0x1b: {  	v1 =	vld [tilespmem:$0x200]  }
0x1c: {  	v2 =	vld [tilespmem:$0x400]  }
0x1d: {  	v3 =	vld [tilespmem:$0x10]  }
0x1e: {  	v4 =	vld [tilespmem:$0x210]  }
0x1f: {  	v5 =	vld [tilespmem:$0x410]  }
0x20: {  	v6 =	vld [tilespmem:$0x20]  }
0x21: {  	v7 =	vld [tilespmem:$0x220]  }
0x22: {  	v41 =	vld [tilespmem:$0x420]  }
0x23: {  	v8 =	vld [tilespmem:$0x30]  }
0x24: {  	v43 =	vld [tilespmem:$0x230]  }
0x25: {  	v45 =	vld [tilespmem:$0x430]  }
0x26: {  	v47 =	vld [tilespmem:$0x40]  }
0x27: {  	v9 =	vld [tilespmem:$0x240]  }
0x28: {  	v49 =	vld [tilespmem:$0x440]  }
0x29: {  	v10 =	vld [tilespmem:$0x50]  }
0x2a: {  	v51 =	vld [tilespmem:$0x250]  }
0x2b: {  	v53 =	vld [tilespmem:$0x450];
	vm0 =	vgt.s32 v0, $0x0  }
0x2c: {  	v11 =	vld [tilespmem:$0x60];
	vm1 =	vgt.s32 v1, $0x0;
	vm6 =	vgt.s32 v2, $0x0;
	vm7 =	vgt.s32 v3, $0x0  }
0x2d: {  	v54 =	vld [tilespmem:$0x260];
	vm8 =	vgt.s32 v4, $0x0;
	vm9 =	vgt.s32 v5, $0x0;
	vm10 =	vgt.s32 v6, $0x0  }
0x2e: {  	v56 =	vld [tilespmem:$0x460];
	vm11 =	vgt.s32 v7, $0x0;
	vm12 =	vgt.s32 v41, $0x0;
	vm13 =	vgt.s32 v8, $0x0  }
0x2f: {  	v60 =	vld [tilespmem:$0x70];
	vm14 =	vgt.s32 v43, $0x0;
	vm15 =	vgt.s32 v45, $0x0;
	vm4 =	vgt.s32 v47, $0x0  }
0x30: {  	v12 =	vld [tilespmem:$0x270];
	vm5 =	vgt.s32 v9, $0x0;
	v0 =	vnsel vm0, $0x0, v0;
	v1 =	vnsel vm1, $0x0, v1  }
0x31: {  	v61 =	vld [tilespmem:$0x470];
	v2 =	vnsel vm6, $0x0, v2;
	v3 =	vnsel vm7, $0x0, v3;
	v40 =	vnsel vm8, $0x0, v4  }
0x32: {  	v13 =	vld [tilespmem:$0x80];
	v5 =	vnsel vm9, $0x0, v5;
	v44 =	vnsel vm10, $0x0, v6;
	v46 =	vnsel vm11, $0x0, v7  }
0x33: {  	v63 =	vld [tilespmem:$0x280];
	v4 =	vnsel vm12, $0x0, v41;
	v8 =	vnsel vm13, $0x0, v8;
	v48 =	vnsel vm14, $0x0, v43  }
0x34: {  	v6 =	vnsel vm15, $0x0, v45;
	v50 =	vnsel vm4, $0x0, v47;
	v52 =	vnsel vm5, $0x0, v9  }
0x35: {  	v17 =	vld [tilespmem:$0x480];
	vm6 =	vgt.s32 v49, $0x0;
	vm7 =	vgt.s32 v10, $0x0;
	vm8 =	vgt.s32 v51, $0x0  }
0x36: {  	v14 =	vld [tilespmem:$0x90];
	vm9 =	vgt.s32 v53, $0x0;
	vm10 =	vgt.s32 v11, $0x0;
	vm11 =	vgt.s32 v54, $0x0  }
0x37: {  	v18 =	vld [tilespmem:$0x290];
	vm12 =	vgt.s32 v56, $0x0;
	vm13 =	vgt.s32 v60, $0x0;
	vm14 =	vgt.s32 v12, $0x0  }
0x38: {  	v20 =	vld [tilespmem:$0x490];
	vm15 =	vgt.s32 v61, $0x0;
	vm4 =	vgt.s32 v13, $0x0;
	vm5 =	vgt.s32 v63, $0x0  }
0x39: {  	v24 =	vld [tilespmem:$0xA0];
	v0 =	vmin.u32 v0, $0x63;
	v1 =	vmin.u32 v1, $0x63;
	v2 =	vmin.u32 v2, $0x63  }
0x3a: {  	v26 =	vld [tilespmem:$0x4A0];
	v3 =	vmin.u32 v3, $0x63;
	v42 =	vmin.u32 v5, $0x63;
	v4 =	vmin.u32 v4, $0x63  }
0x3b: {  	v28 =	vld [tilespmem:$0x2B0];
	v8 =	vmin.u32 v8, $0x63;
	v6 =	vmin.u32 v6, $0x63;
	v5 =	vnsel vm6, $0x0, v49  }
0x3c: {  	v31 =	vld [tilespmem:$0x2C0];
	v55 =	vnsel vm7, $0x0, v10;
	v57 =	vnsel vm8, $0x0, v51;
	v59 =	vnsel vm9, $0x0, v53  }
0x3d: {  	v11 =	vnsel vm10, $0x0, v11;
	v10 =	vnsel vm12, $0x0, v56;
	v62 =	vnsel vm13, $0x0, v60  }
0x3e: {  	v16 =	vnsel vm14, $0x0, v12;
	v19 =	vnsel vm4, $0x0, v13;
	v21 =	vnsel vm5, $0x0, v63  }
0x3f: {  	vm6 =	vgt.s32 v17, $0x0;
	vm7 =	vgt.s32 v14, $0x0;
	vm8 =	vgt.s32 v18, $0x0  }
0x40: {  	v33 =	vld [tilespmem:$0x4C0];
	vm9 =	vgt.s32 v20, $0x0;
	vm10 =	vgt.s32 v24, $0x0;
	vm12 =	vgt.s32 v26, $0x0  }
0x41: {  	v37 =	vld [tilespmem:$0xD0];
	vm14 =	vgt.s32 v28, $0x0;
	vm5 =	vgt.s32 v31, $0x0;
	v0 =	vmul.u32 $0x2710, v0  }
0x42: {  	v39 =	vld [tilespmem:$0x4D0];
	v1 =	vmul.u32 $0x64, v1;
	v3 =	vmul.u32 $0x2710, v3;
	v8 =	vmul.u32 $0x2710, v8  }
0x43: {  	v5 =	vmin.u32 v5, $0x63;
	v58 =	vmin.u32 v55, $0x63;
	v11 =	vmin.u32 v11, $0x63  }
0x44: {  	v10 =	vmin.u32 v10, $0x63;
	v22 =	vmin.u32 v19, $0x63;
	v23 =	vnsel vm6, $0x0, v17  }
0x45: {  	v14 =	vnsel vm7, $0x0, v14;
	v25 =	vnsel vm8, $0x0, v18;
	v13 =	vnsel vm9, $0x0, v20  }
0x46: {  	v27 =	vnsel vm10, $0x0, v24;
	v17 =	vld [tilespmem:$0xC0];
	v34 =	vnsel vm14, $0x0, v28;
	v38 =	vnsel vm5, $0x0, v31  }
0x47: {  	v18 =	vld [tilespmem:$0x2D0];
	vm6 =	vgt.s32 v33, $0x0;
	vm7 =	vgt.s32 v37, $0x0;
	vm9 =	vgt.s32 v39, $0x0  }
0x48: {  	v19 =	vld [tilespmem:$0xE0];
	v7 =	vmul.u32 $0x2710, v58;
	v11 =	vmul.u32 $0x2710, v11;
	v9 =	vmul.u32 $0x2710, v22  }
0x49: {  	v14 =	vmin.u32 v14, $0x63;
	v0 =	vadd.s32 v0, v1;
	v1 =	vmin.u32 v40, $0x63  }
0x4a: {  	v13 =	vmin.u32 v13, $0x63;
	v22 =	vld [tilespmem:$0x110];
	v14 =	vmul.u32 $0x2710, v14;
	v1 =	vmul.u32 $0x64, v1  }
0x4b: {  	v40 =	vnsel vm7, $0x0, v37;
	v0 =	vadd.s32 v2, v0;
	v2 =	vmin.u32 v46, $0x63  }
0x4c: {  	v2 =	vmul.u32 $0x64, v2;
	v1 =	vadd.s32 v3, v1;
	v3 =	vmin.u32 v44, $0x63  }
0x4d: {  	vm4 =	vgt.s32 v17, $0x0;
	vm8 =	vgt.s32 v18, $0x0;
	vm10 =	vgt.s32 v19, $0x0  }
0x4e: {  	v44 =	vld [tilespmem:$0x2F0];
	v1 =	vadd.s32 v42, v1;
	v3 =	vmul.u32 $0x2710, v3;
	v17 =	vnsel vm4, $0x0, v17  }
0x4f: {  	v24 =	vld [tilespmem:$0x330];
	v42 =	vnsel vm8, $0x0, v18;
	v45 =	vnsel vm10, $0x0, v19;
	vm7 =	vgt.s32 v22, $0x0  }
0x50: {  	v17 =	vmin.u32 v17, $0x63;
	v2 =	vadd.s32 v3, v2;
	v3 =	vmin.u32 v48, $0x63  }
0x51: {  	v15 =	vld [tilespmem:$0x2A0];
	v58 =	vnsel vm7, $0x0, v22;
	v17 =	vmul.u32 $0x2710, v17;
	v3 =	vmul.u32 $0x64, v3  }
0x52: {  	v41 =	vld [tilespmem:$0x2E0];
	v48 =	vmin.u32 v45, $0x63;
	v2 =	vadd.s32 v4, v2;
	v4 =	vmin.u32 v50, $0x63  }
0x53: {  	v4 =	vmul.u32 $0x2710, v4;
	vm14 =	vgt.s32 v44, $0x0;
	v3 =	vadd.s32 v8, v3  }
0x54: {  	v50 =	vld [tilespmem:$0x100];
	v8 =	vmin.u32 v52, $0x63;
	v51 =	vnsel vm14, $0x0, v44;
	vm14 =	vgt.s32 v24, $0x0  }
0x55: {  	v8 =	vmul.u32 $0x64, v8;
	v3 =	vadd.s32 v6, v3;
	v6 =	vnsel vm11, $0x0, v54  }
0x56: {  	vm11 =	vgt.s32 v15, $0x0;
	v31 =	vnsel vm14, $0x0, v24;
	v6 =	vmin.u32 v6, $0x63  }
0x57: {  	v43 =	vld [tilespmem:$0x4E0];
	v29 =	vnsel vm11, $0x0, v15;
	vm11 =	vgt.s32 v41, $0x0;
	v15 =	vmul.u32 $0x2710, v48  }
0x58: {  	v54 =	vld [tilespmem:$0x310];
	v4 =	vadd.s32 v4, v8;
	v8 =	vmin.u32 v59, $0x63;
	v6 =	vmul.u32 $0x64, v6  }
0x59: {  	v30 =	vld [tilespmem:$0x4B0];
	v47 =	vnsel vm11, $0x0, v41;
	vm4 =	vgt.s32 v50, $0x0;
	v4 =	vadd.s32 v5, v4  }
0x5a: {  	v28 =	vld [tilespmem:$0x530];
	v5 =	vmin.u32 v57, $0x63;
	v6 =	vadd.s32 v11, v6;
	v11 =	vmin.u32 v16, $0x63  }
0x5b: {  	v46 =	vld [tilespmem:$0x4F0];
	v53 =	vnsel vm4, $0x0, v50;
	v5 =	vmul.u32 $0x64, v5;
	v11 =	vmul.u32 $0x64, v11  }
0x5c: {  	v59 =	vld [tilespmem:$0x520];
	v6 =	vadd.s32 v10, v6;
	v10 =	vnsel vm12, $0x0, v26;
	vm12 =	vgt.s32 v43, $0x0  }
0x5d: {  	v57 =	vld [tilespmem:$0x320];
	vm8 =	vgt.s32 v54, $0x0;
	v5 =	vadd.s32 v7, v5;
	v7 =	vnsel vm15, $0x0, v61  }
0x5e: {  	v41 =	vld [tilespmem:$0x560];
	v10 =	vmin.u32 v10, $0x63;
	vm15 =	vgt.s32 v30, $0x0;
	v49 =	vnsel vm12, $0x0, v43  }
0x5f: {  	v16 =	vld [tilespmem:$0xB0];
	v60 =	vnsel vm8, $0x0, v54;
	v61 =	vmin.u32 v58, $0x63;
	v5 =	vadd.s32 v8, v5  }
0x60: {  	v20 =	vld [tilespmem:$0xF0];
	v8 =	vmin.u32 v62, $0x63;
	v7 =	vmin.u32 v7, $0x63;
	v36 =	vnsel vm15, $0x0, v30  }
0x61: {  	v52 =	vld [tilespmem:$0x500];
	vm15 =	vgt.s32 v46, $0x0;
	v18 =	vmul.u32 $0x2710, v61;
	vm12 =	vgt.s32 v59, $0x0  }
0x62: {  	v26 =	vld [tilespmem:$0x150];
	v8 =	vmul.u32 $0x2710, v8;
	v19 =	vnsel vm15, $0x0, v46;
	vm11 =	vgt.s32 v57, $0x0  }
0x63: {  	v22 =	vnsel vm12, $0x0, v59;
	vm15 =	vgt.s32 v28, $0x0;
	vm12 =	vgt.s32 v41, $0x0  }
0x64: {  	v63 =	vld [tilespmem:$0x130];
	vm13 =	vgt.s32 v16, $0x0;
	v19 =	vmin.u32 v19, $0x63;
	v22 =	vmin.u32 v22, $0x63  }
0x65: {  	v43 =	vld [tilespmem:$0x370];
	v8 =	vadd.s32 v8, v11;
	v11 =	vmin.u32 v23, $0x63;
	v32 =	vnsel vm13, $0x0, v16  }
0x66: {  	v16 =	vnsel vm6, $0x0, v33;
	vm13 =	vgt.s32 v20, $0x0;
	vm6 =	vgt.s32 v52, $0x0  }
0x67: {  	vm7 =	vgt.s32 v26, $0x0;
	v7 =	vadd.s32 v7, v8;
	v8 =	vmin.u32 v21, $0x63  }
0x68: {  	v23 =	vld [tilespmem:$0x120];
	v35 =	vmin.u32 v32, $0x63;
	v16 =	vmin.u32 v16, $0x63;
	v20 =	vnsel vm13, $0x0, v20  }
0x69: {  	v33 =	vld [tilespmem:$0x350];
	vm13 =	vgt.s32 v63, $0x0;
	v26 =	vnsel vm7, $0x0, v26;
	v8 =	vmul.u32 $0x64, v8  }
0x6a: {  	v21 =	vld [tilespmem:$0x300];
	vm14 =	vgt.s32 v43, $0x0;
	v12 =	vmul.u32 $0x2710, v35;
	v20 =	vmin.u32 v20, $0x63  }
0x6b: {  	v26 =	vmin.u32 v26, $0x63;
	v8 =	vadd.s32 v9, v8;
	v9 =	vmin.u32 v25, $0x63  }
0x6c: {  	v30 =	vld [tilespmem:$0x340];
	v20 =	vmul.u32 $0x2710, v20;
	v26 =	vmul.u32 $0x2710, v26;
	v9 =	vmul.u32 $0x64, v9  }
0x6d: {  	v56 =	vld [tilespmem:$0x510];
	v8 =	vadd.s32 v11, v8;
	v11 =	vmin.u32 v27, $0x63;
	vm10 =	vgt.s32 v23, $0x0  }
0x6e: {  	v35 =	vld [tilespmem:$0x550];
	v27 =	vnsel vm11, $0x0, v57;
	vm8 =	vgt.s32 v33, $0x0;
	v11 =	vmul.u32 $0x2710, v11  }
0x6f: {  	v25 =	vld [tilespmem:$0x140];
	vm5 =	vgt.s32 v21, $0x0;
	v23 =	vnsel vm10, $0x0, v23;
	v9 =	vadd.s32 v14, v9  }
0x70: {  	v14 =	vmin.u32 v29, $0x63;
	v55 =	vnsel vm5, $0x0, v21;
	v23 =	vmin.u32 v23, $0x63  }
0x71: {  	v46 =	vld [tilespmem:$0x380];
	v29 =	vnsel vm13, $0x0, v63;
	vm5 =	vgt.s32 v30, $0x0;
	v14 =	vmul.u32 $0x64, v14  }
0x72: {  	v54 =	vld [tilespmem:$0x590];
	v9 =	vadd.s32 v13, v9;
	v13 =	vnsel vm9, $0x0, v39;
	vm9 =	vgt.s32 v56, $0x0  }
0x73: {  	v23 =	vmul.u32 $0x2710, v23;
	v13 =	vmin.u32 v13, $0x63;
	v62 =	vnsel vm9, $0x0, v56  }
0x74: {  	vm4 =	vgt.s32 v25, $0x0;
	vm9 =	vgt.s32 v35, $0x0;
	v11 =	vadd.s32 v11, v14  }
0x75: {  	v39 =	vld [tilespmem:$0x160];
	v14 =	vmin.u32 v36, $0x63;
	v10 =	vadd.s32 v10, v11;
	v11 =	vmin.u32 v34, $0x63  }
0x76: {  	v36 =	vnsel vm5, $0x0, v30;
	vm5 =	vgt.s32 v46, $0x0;
	v11 =	vmul.u32 $0x64, v11  }
0x77: {  	v34 =	vnsel vm4, $0x0, v25;
	v25 =	vnsel vm9, $0x0, v35;
	vm9 =	vgt.s32 v54, $0x0  }
0x78: {  	v32 =	vld [tilespmem:$0x540];
	v37 =	vmin.u32 v34, $0x63;
	v11 =	vadd.s32 v12, v11;
	v12 =	vmin.u32 v38, $0x63  }
0x79: {  	v25 =	vmin.u32 v25, $0x63;
	v63 =	vnsel vm9, $0x0, v54;
	v12 =	vmul.u32 $0x64, v12  }
0x7a: {  	v30 =	vld [tilespmem:$0x390];
	v21 =	vmul.u32 $0x2710, v37;
	vm10 =	vgt.s32 v39, $0x0;
	v11 =	vadd.s32 v14, v11  }
0x7b: {  	v14 =	vmin.u32 v40, $0x63;
	v12 =	vadd.s32 v17, v12;
	v17 =	vmin.u32 v42, $0x63  }
0x7c: {  	[tilespmem:$0x620] =	vst v2;
	v48 =	vld [tilespmem:$0x580];
	v2 =	vmin.u32 v63, $0x63;
	v14 =	vmul.u32 $0x2710, v14;
	v17 =	vmul.u32 $0x64, v17  }
0x7d: {  	v12 =	vadd.s32 v16, v12;
	v16 =	vnsel vm6, $0x0, v52;
	vm6 =	vgt.s32 v32, $0x0;
	v52 =	vld [tilespmem:$0x190]  }
0x7e: {  	v40 =	vnsel vm8, $0x0, v33;
	v38 =	vnsel vm6, $0x0, v32;
	v32 =	vld [tilespmem:$0x3B0];
	v14 =	vadd.s32 v14, v17  }
0x7f: {  	vm8 =	vgt.s32 v30, $0x0;
	v13 =	vadd.s32 v13, v14;
	v14 =	vmin.u32 v47, $0x63  }
0x80: {  	v59 =	vnsel vm8, $0x0, v30;
	v42 =	vnsel vm10, $0x0, v39;
	v14 =	vmul.u32 $0x64, v14  }
0x81: {  	v16 =	vmin.u32 v16, $0x63;
	vm6 =	vgt.s32 v48, $0x0;
	v17 =	vmin.u32 v49, $0x63  }
0x82: {  	v49 =	vnsel vm14, $0x0, v43;
	v14 =	vadd.s32 v15, v14;
	v15 =	vmin.u32 v51, $0x63  }
0x83: {  	v45 =	vld [tilespmem:$0x570];
	vm7 =	vgt.s32 v52, $0x0;
	vm14 =	vgt.s32 v32, $0x0;
	v15 =	vmul.u32 $0x64, v15  }
0x84: {  	[tilespmem:$0x630] =	vst v3;
	v14 =	vadd.s32 v17, v14;
	v17 =	vmin.u32 v53, $0x63;
	v3 =	vnsel vm14, $0x0, v32  }
0x85: {  	v34 =	vld [tilespmem:$0x5B0];
	v53 =	vnsel vm5, $0x0, v46;
	v17 =	vmul.u32 $0x2710, v17;
	v3 =	vmin.u32 v3, $0x63  }
0x86: {  	v46 =	vld [tilespmem:$0x5D0];
	v15 =	vadd.s32 v20, v15;
	v20 =	vmin.u32 v55, $0x63;
	v55 =	vnsel vm7, $0x0, v52  }
0x87: {  	v3 =	vmul.u32 $0x64, v3;
	v20 =	vmul.u32 $0x64, v20;
	v15 =	vadd.s32 v19, v15  }
0x88: {  	v19 =	vnsel vm15, $0x0, v28;
	v28 =	vld [tilespmem:$0x170];
	vm15 =	vgt.s32 v45, $0x0;
	v61 =	vmin.u32 v55, $0x63  }
0x89: {  	v19 =	vmin.u32 v19, $0x63;
	v51 =	vnsel vm15, $0x0, v45;
	v17 =	vadd.s32 v17, v20  }
0x8a: {  	[tilespmem:$0x610] =	vst v1;
	v30 =	vld [tilespmem:$0x1B0];
	v1 =	vmul.u32 $0x2710, v61;
	v16 =	vadd.s32 v16, v17;
	v17 =	vmin.u32 v60, $0x63  }
0x8b: {  	vm15 =	vgt.s32 v34, $0x0;
	vm9 =	vgt.s32 v46, $0x0;
	v17 =	vmul.u32 $0x64, v17  }
0x8c: {  	[tilespmem:$0x690] =	vst v9;
	v52 =	vld [tilespmem:$0x1F0];
	v20 =	vmin.u32 v62, $0x63;
	v62 =	vmin.u32 v59, $0x63;
	v9 =	vnsel vm9, $0x0, v46  }
0x8d: {  	v9 =	vmin.u32 v9, $0x63;
	vm13 =	vgt.s32 v28, $0x0;
	v17 =	vadd.s32 v18, v17  }
0x8e: {  	v18 =	vmin.u32 v27, $0x63;
	v47 =	vnsel vm13, $0x0, v28;
	v28 =	vnsel vm6, $0x0, v48  }
0x8f: {  	vm13 =	vgt.s32 v30, $0x0;
	v18 =	vmul.u32 $0x64, v18;
	v17 =	vadd.s32 v20, v17  }
0x90: {  	v55 =	vld [tilespmem:$0x5F0];
	v20 =	vmin.u32 v29, $0x63;
	v50 =	vmin.u32 v47, $0x63;
	v58 =	vmin.u32 v28, $0x63  }
0x91: {  	v60 =	vld [tilespmem:$0x5A0];
	v28 =	vmul.u32 $0x64, v62;
	v39 =	vnsel vm13, $0x0, v30;
	vm13 =	vgt.s32 v52, $0x0  }
0x92: {  	[tilespmem:$0x680] =	vst v8;
	v27 =	vld [tilespmem:$0x360];
	v20 =	vmul.u32 $0x2710, v20;
	v24 =	vmul.u32 $0x2710, v50;
	v8 =	vmin.u32 v39, $0x63  }
0x93: {  	[tilespmem:$0x660] =	vst v6;
	v6 =	vnsel vm13, $0x0, v52;
	v18 =	vadd.s32 v23, v18;
	v23 =	vmin.u32 v31, $0x63  }
0x94: {  	v56 =	vld [tilespmem:$0x3A0];
	v1 =	vadd.s32 v1, v28;
	v8 =	vmul.u32 $0x2710, v8;
	v6 =	vmin.u32 v6, $0x63  }
0x95: {  	v29 =	vld [tilespmem:$0x180];
	v23 =	vmul.u32 $0x64, v23;
	v18 =	vadd.s32 v22, v18;
	v22 =	vnsel vm12, $0x0, v41  }
0x96: {  	v37 =	vld [tilespmem:$0x1C0];
	v1 =	vadd.s32 v2, v1;
	vm12 =	vgt.s32 v60, $0x0;
	v41 =	vnsel vm15, $0x0, v34  }
0x97: {  	v48 =	vld [tilespmem:$0x3E0];
	vm15 =	vgt.s32 v55, $0x0;
	vm11 =	vgt.s32 v27, $0x0;
	v22 =	vmin.u32 v22, $0x63  }
0x98: {  	v50 =	vld [tilespmem:$0x5E0];
	v3 =	vadd.s32 v8, v3;
	v45 =	vmin.u32 v41, $0x63;
	v61 =	vnsel vm15, $0x0, v55  }
0x99: {  	v31 =	vld [tilespmem:$0x1A0];
	v20 =	vadd.s32 v20, v23;
	v23 =	vmin.u32 v38, $0x63;
	v44 =	vnsel vm11, $0x0, v27  }
0x9a: {  	vm4 =	vgt.s32 v29, $0x0;
	vm11 =	vgt.s32 v56, $0x0;
	v3 =	vadd.s32 v45, v3  }
0x9b: {  	v19 =	vadd.s32 v19, v20;
	v20 =	vmin.u32 v36, $0x63;
	v29 =	vnsel vm4, $0x0, v29  }
0x9c: {  	v47 =	vld [tilespmem:$0x1E0];
	v35 =	vnsel vm11, $0x0, v56;
	v36 =	vnsel vm12, $0x0, v60;
	vm4 =	vgt.s32 v37, $0x0  }
0x9d: {  	vm11 =	vgt.s32 v48, $0x0;
	vm12 =	vgt.s32 v50, $0x0;
	v60 =	vmul.u32 $0x2710, v6  }
0x9e: {  	[tilespmem:$0x600] =	vst v0;
	v38 =	vld [tilespmem:$0x3C0];
	v20 =	vmul.u32 $0x64, v20;
	v29 =	vmin.u32 v29, $0x63;
	vm10 =	vgt.s32 v31, $0x0  }
0x9f: {  	[tilespmem:$0x650] =	vst v5;
	v2 =	vmin.u32 v35, $0x63;
	v5 =	vmin.u32 v36, $0x63;
	v43 =	vnsel vm4, $0x0, v37  }
0xa0: {  	[tilespmem:$0x640] =	vst v4;
	v29 =	vmul.u32 $0x2710, v29;
	v33 =	vnsel vm10, $0x0, v31;
	v2 =	vmul.u32 $0x64, v2  }
0xa1: {  	[tilespmem:$0x670] =	vst v7;
	vm10 =	vgt.s32 v47, $0x0;
	v20 =	vadd.s32 v21, v20;
	v21 =	vmin.u32 v40, $0x63  }
0xa2: {  	[tilespmem:$0x6A0] =	vst v10;
	v4 =	vmin.u32 v33, $0x63;
	v40 =	vld [tilespmem:$0x5C0];
	v21 =	vmul.u32 $0x64, v21;
	v20 =	vadd.s32 v23, v20  }
0xa3: {  	[tilespmem:$0x6B0] =	vst v11;
	v23 =	vmin.u32 v42, $0x63;
	v4 =	vmul.u32 $0x2710, v4;
	vm5 =	vgt.s32 v38, $0x0  }
0xa4: {  	[tilespmem:$0x6C0] =	vst v12;
	v23 =	vmul.u32 $0x2710, v23;
	v21 =	vadd.s32 v26, v21;
	v26 =	vmin.u32 v44, $0x63  }
0xa5: {  	[tilespmem:$0x6D0] =	vst v13;
	v42 =	vld [tilespmem:$0x1D0];
	v7 =	vnsel vm5, $0x0, v38;
	v2 =	vadd.s32 v4, v2;
	v26 =	vmul.u32 $0x64, v26  }
0xa6: {  	[tilespmem:$0x6E0] =	vst v14;
	v44 =	vld [tilespmem:$0x3D0];
	v7 =	vmin.u32 v7, $0x63;
	v2 =	vadd.s32 v5, v2;
	v5 =	vmin.u32 v43, $0x63  }
0xa7: {  	[tilespmem:$0x6F0] =	vst v15;
	v7 =	vmul.u32 $0x64, v7;
	vm6 =	vgt.s32 v40, $0x0;
	v23 =	vadd.s32 v23, v26  }
0xa8: {  	[tilespmem:$0x700] =	vst v16;
	v5 =	vmul.u32 $0x2710, v5;
	v22 =	vadd.s32 v22, v23;
	v23 =	vmin.u32 v49, $0x63  }
0xa9: {  	[tilespmem:$0x710] =	vst v17;
	v26 =	vmin.u32 v51, $0x63;
	v4 =	vnsel vm6, $0x0, v40;
	v23 =	vmul.u32 $0x64, v23  }
0xaa: {  	[tilespmem:$0x720] =	vst v18;
	vm7 =	vgt.s32 v42, $0x0;
	v4 =	vmin.u32 v4, $0x63;
	v5 =	vadd.s32 v5, v7  }
0xab: {  	[tilespmem:$0x790] =	vst v1;
	vm8 =	vgt.s32 v44, $0x0;
	v23 =	vadd.s32 v24, v23;
	v24 =	vmin.u32 v53, $0x63;
	v53 =	vld [tilespmem:$0x3F0]  }
0xac: {  	[tilespmem:$0x7B0] =	vst v3;
	v49 =	vnsel vm7, $0x0, v42;
	v4 =	vadd.s32 v4, v5;
	v51 =	vnsel vm8, $0x0, v44  }
0xad: {  	[tilespmem:$0x730] =	vst v19;
	v7 =	vmin.u32 v49, $0x63;
	v5 =	vmin.u32 v51, $0x63;
	v24 =	vmul.u32 $0x64, v24  }
0xae: {  	[tilespmem:$0x740] =	vst v20;
	v21 =	vadd.s32 v25, v21;
	v7 =	vmul.u32 $0x2710, v7;
	v5 =	vmul.u32 $0x64, v5  }
0xaf: {  	v54 =	vnsel vm11, $0x0, v48;
	v11 =	vnsel vm10, $0x0, v47;
	[tilespmem:$0x750] =	vst v21;
	v57 =	vadd.s32 v29, v24  }
0xb0: {  	[tilespmem:$0x7A0] =	vst v2;
	v5 =	vadd.s32 v7, v5;
	v7 =	vmin.u32 v54, $0x63;
	vm14 =	vgt.s32 v53, $0x0  }
0xb1: {  	[tilespmem:$0x760] =	vst v22;
	v0 =	vadd.s32 v58, v57;
	v57 =	vmin.u32 v11, $0x63;
	v58 =	vnsel vm14, $0x0, v53  }
0xb2: {  	v59 =	vmul.u32 $0x64, v7;
	[tilespmem:$0x780] =	vst v0;
	v0 =	vmul.u32 $0x2710, v57;
	v1 =	vmin.u32 v58, $0x63  }
0xb3: {  	v56 =	vnsel vm12, $0x0, v50;
	[tilespmem:$0x7C0] =	vst v4;
	v23 =	vadd.s32 v26, v23;
	v1 =	vmul.u32 $0x64, v1  }
0xb4: {  	v62 =	vmin.u32 v56, $0x63;
	[tilespmem:$0x770] =	vst v23;
	v5 =	vadd.s32 v9, v5;
	v0 =	vadd.s32 v0, v59  }
0xb5: {  	v2 =	vmin.u32 v61, $0x63;
	[tilespmem:$0x7D0] =	vst v5;
	v0 =	vadd.s32 v62, v0;
	v1 =	vadd.s32 v60, v1  }
0xb6: {  	[tilespmem:$0x7E0] =	vst v0;
	v63 =	vadd.s32 v2, v1  }
0xb7: {  	[tilespmem:$0x7F0] =	vst v63  }
0xb8: {  	[tilespmem:s14], [sflag:$0x1] =	stream.indirect.gather [hbm4b:s3+s12], $0x10, s13, s12, $0xb8;
	[tilespmem:$0x2800] =	vst v63  }
0xb9: {  	_ = 	snop  }
0xba: {  	[tilespmem:s16], [sflag:$0x1] =	stream.indirect.gather [hbm4b:s3+s12], $0x10, s15, s12, $0xb8;
	[tilespmem:$0x2800] =	vst v63  }
0xbb: {  	_ = 	snop  }
0xbc: {  	[tilespmem:s18], [sflag:$0x1] =	stream.indirect.gather [hbm4b:s3+s12], $0x10, s17, s12, $0xb8;
	[tilespmem:$0x2800] =	vst v63  }
0xbd: {  	_ = 	snop  }
0xbe: {  	[tilespmem:s20], [sflag:$0x1] =	stream.indirect.gather [hbm4b:s3+s12], $0x10, s19, s12, $0xb8;
	[tilespmem:$0x2800] =	vst v63  }
0xbf: {  	_ =	swait.ge [sflag:s21], $0x800  }
0xc0: {  	[sflag:s21] =	ssyncset.done $0x0  }
0xc1: {  	[sflag:s21] =	ssyncadd.s32 $0xFFFFF800  }
0xc2: {  	_ =	swait.ge [sflag:s21], $0x800  }
0xc3: {  	[sflag:s21] =	ssyncset.done $0x0  }
0xc4: {  	[sflag:s21] =	ssyncadd.s32 $0xFFFFF800  }
0xc5: {  	_ =	swait.ge [sflag:s21], $0x800  }
0xc6: {  	[sflag:s21] =	ssyncset.done $0x0  }
0xc7: {  	[sflag:s21] =	ssyncadd.s32 $0xFFFFF800  }
0xc8: {  	_ =	swait.ge [sflag:s21], $0x800  }
0xc9: {  	p0 =	sne.s32 s8, $0x1;
	[sflag:s21] =	ssyncset.done $0x0  }
.Ltmp0:
0xca: {  	[sflag:s21] =	ssyncadd.s32 $0xFFFFF800;
	(pc) =	sbr.rel @p0 .LBB2_1-.Ltmp0, $4  }
0xcb: {  	[hbm4b:s7+s2] =	stream.linear.scatter [tilespmem:s14], [sflag:$0x2], $0x2000, $0x38;
	[tilespmem:$0x2800] =	vst v63  }
0xcc: {  	_ =	swait.ge [sflag:s9], $0x2000  }
0xcd: {  	[sflag:s9] =	ssyncset.done $0x0  }
0xce: {  	s8 =	sadd.s32 $0xFFFFFFFF, s8;
	[sflag:s9] =	ssyncadd.s32 $0xFFFFE000  }
0xcf: {  	_ =	sfence.sel $0x180000  }
0xd0: {  	[bflag:$0x0] =	sbarrier.arrive $0xFFFF  }
0xd1: {  	p0 =	sne.s32 s0, $0x0;
	_ =	strace $0x90000047  }
0xd2: {  	s0 =	sadd.s32 @!p0 $0x100000, s1;
	[bflag:$0x2] =	sbarrier.arrive $0xFFFF  }
0xd3: {  	[sflag:s0] =	ssyncadd.tile.s32 @!p0 $0x1;
	_ =	shalt  }
.Lfunc_end2:
_tile_overlayer_lowered:
.L_overlay_start_2:
0xd4: {  	(tag) =	ssettag $0x2  }
0xd5: {  	s0 =	rddreg [dreg:$0x0];
	s2 =	stileid.u32  }
0xd6: {  	s1 =	rddreg [dreg:$0x1];
	p0 =	sne.s32 s2, $0x0  }
0xd7: {  	s3 =	rddreg [dreg:$0x2];
	[bflag:$0x3] =	sbarrier.arrive $0xFFFF;
	s2 =	simm.s32 @!p0 $0x1C02  }
0xd8: {  	[timem:s3], [sflag:s2] =	dma.local @!p0 [hbm:s0], s1  }
0xd9: {  	s0 =	simm.s32 @!p0 $0x2  }
0xda: {  	_ =	swait.ge @!p0 [sflag:s0], s1  }
0xdb: {  	s1 =	ssub.s32 @!p0 $0x0, s1;
	[sflag:s0] =	ssyncset.done @!p0 $0x0  }
0xdc: {  	[sflag:s0] =	ssyncadd.s32 @!p0 s1  }
0xdd: {  	[bflag:$0x3] =	sbarrier.arrive $0xFFFF  }
0xde: {  	_ =	shalt  }

</sc_bundles>
